<compile_context>
chip_gen: v7x
topology: tpu7x:2x2x1
jax: 0.10.2.dev20260603
libtpu: 0.0.44.dev20260713+nightly
codegen_flags: <defaults>
</compile_context>

<pallas_src>
import jax
import jax.numpy as jnp
from jax import lax
from jax.experimental import pallas as pl
from jax.experimental.pallas import tpu as pltpu

F32 = jnp.float32


def _enc1_body(x_ref, w_ref, b_ref, o_ref):
    acc = jnp.dot(x_ref[0], w_ref[:], preferred_element_type=F32)
    o_ref[0] = jnp.maximum(acc + b_ref[:], 0.0)


def _enc2_body(x_ref, w_ref, b_ref, o_ref):
    t = pl.program_id(1)
    acc = jnp.zeros((784, 32), F32)
    for kh in range(4):
        for kw in range(4):
            s = x_ref[0, kh % 2, kw % 2, pl.ds(14 * t + kh // 2, 14),
                      pl.ds(kw // 2, 56), :]
            acc = acc + jnp.dot(s.reshape(784, 64), w_ref[kh * 4 + kw],
                                preferred_element_type=F32)
    o_ref[0] = acc + b_ref[:]


def _vq_body(z_ref, c_ref, q_ref, i_ref, l_ref):
    z = z_ref[:]
    c = c_ref[:]
    zn = jnp.sum(z * z, axis=1, keepdims=True)
    cn = jnp.sum(c * c, axis=1)
    m = lax.dot_general(z, c, (((1,), (1,)), ((), ())),
                        preferred_element_type=F32)
    d = (zn + cn[None, :]) - 2.0 * m
    dmin = jnp.min(d, axis=1, keepdims=True)
    iota = lax.broadcasted_iota(jnp.int32, (256, 1024), 1)
    idx = jnp.min(jnp.where(d == dmin, iota, 1024), axis=1)
    onehot = (iota == idx[:, None]).astype(F32)
    q = jnp.dot(onehot, c, preferred_element_type=F32)
    q_ref[:] = q
    i_ref[0, 0, :] = idx
    diff = q - z
    ss = jnp.sum(diff * diff)
    @pl.when(pl.program_id(0) == 0)
    def _():
        l_ref[0, 0] = ss
    @pl.when(pl.program_id(0) != 0)
    def _():
        l_ref[0, 0] = l_ref[0, 0] + ss


def _dec1_body(q_ref, w1_ref, b1_ref, o_ref):
    a = pl.program_id(1)
    b = pl.program_id(2)
    t = pl.program_id(3)
    acc = jnp.zeros((784, 64), F32)
    for dh in range(2):
        for dw in range(2):
            u0 = (a + 2 * dh + 1) // 2
            v0 = (b + 2 * dw + 1) // 2
            s = q_ref[0, pl.ds(14 * t + u0, 14), pl.ds(v0, 56), :]
            w = w1_ref[a + 2 * dh, b + 2 * dw]
            acc = acc + jnp.dot(s.reshape(784, 32), w,
                                preferred_element_type=F32)
    o_ref[0, 0, 0] = jnp.maximum(acc + b1_ref[:], 0.0)


def _dec2_body(y_ref, w2_ref, b2_ref, o_ref):
    t = pl.program_id(1)
    p = jnp.zeros((3136, 4), F32)
    for u0 in range(3):
        for v0 in range(3):
            s = y_ref[0, pl.ds(28 * t + u0, 28), pl.ds(v0, 112), :]
            p = p + jnp.dot(s.reshape(3136, 64), w2_ref[u0, v0],
                            preferred_element_type=F32)
    o_ref[0] = jax.nn.sigmoid(p + b2_ref[:])


def kernel(x, enc1_w, enc1_b, enc2_w, enc2_b, codebook,
           dec1_w, dec1_b, dec2_w, dec2_b):
    B = 16
    xp = jnp.pad(x[:, 0], ((0, 0), (1, 1), (1, 1)))
    xpar = xp.reshape(B, 113, 2, 113, 2).transpose(0, 2, 4, 1, 3)
    taps = [xpar[:, kh % 2, kw % 2, kh // 2:kh // 2 + 112,
                 kw // 2:kw // 2 + 112]
            for kh in range(4) for kw in range(4)]
    xcol = jnp.stack(taps, axis=-1).reshape(B, 12544, 16)
    w1m = enc1_w[:, 0].reshape(64, 16).T
    z1 = pl.pallas_call(
        _enc1_body,
        grid=(B, 4),
        in_specs=[pl.BlockSpec((1, 3136, 16), lambda b, t: (b, t, 0)),
                  pl.BlockSpec((16, 64), lambda b, t: (0, 0)),
                  pl.BlockSpec((1, 64), lambda b, t: (0, 0))],
        out_specs=pl.BlockSpec((1, 3136, 64), lambda b, t: (b, t, 0)),
        out_shape=jax.ShapeDtypeStruct((B, 12544, 64), F32),
    )(xcol, w1m, enc1_b.reshape(1, 64))

    z1p = jnp.pad(z1.reshape(B, 112, 112, 64),
                  ((0, 0), (1, 1), (1, 1), (0, 0)))
    z1p = z1p.reshape(B, 57, 2, 57, 2, 64).transpose(0, 2, 4, 1, 3, 5)
    w2m = enc2_w.transpose(2, 3, 1, 0).reshape(16, 64, 32)
    zf = pl.pallas_call(
        _enc2_body,
        grid=(B, 4),
        in_specs=[pl.BlockSpec((1, 2, 2, 57, 57, 64),
                               lambda b, t: (b, 0, 0, 0, 0, 0)),
                  pl.BlockSpec((16, 64, 32), lambda b, t: (0, 0, 0)),
                  pl.BlockSpec((1, 32), lambda b, t: (0, 0))],
        out_specs=pl.BlockSpec((1, 784, 32), lambda b, t: (b, t, 0)),
        out_shape=jax.ShapeDtypeStruct((B, 3136, 32), F32),
    )(z1p, w2m, enc2_b.reshape(1, 32))
    zf = zf.reshape(50176, 32)

    nblk = 196
    q, idx, loss = pl.pallas_call(
        _vq_body,
        grid=(nblk,),
        in_specs=[pl.BlockSpec((256, 32), lambda i: (i, 0)),
                  pl.BlockSpec((1024, 32), lambda i: (0, 0))],
        out_specs=[pl.BlockSpec((256, 32), lambda i: (i, 0)),
                   pl.BlockSpec((1, 1, 256), lambda i: (i, 0, 0)),
                   pl.BlockSpec((1, 1), lambda i: (0, 0),
                                memory_space=pltpu.SMEM)],
        out_shape=[jax.ShapeDtypeStruct((50176, 32), F32),
                   jax.ShapeDtypeStruct((nblk, 1, 256), jnp.int32),
                   jax.ShapeDtypeStruct((1, 1), F32)],
    )(zf, codebook)
    indices = idx.reshape(B, 56, 56)
    vq_loss = (loss[0, 0] * (1.25 / (16 * 32 * 56 * 56))).reshape(())

    qp = jnp.pad(q.reshape(B, 56, 56, 32), ((0, 0), (1, 1), (1, 1), (0, 0)))
    wd1 = dec1_w.transpose(2, 3, 1, 0)
    yp = pl.pallas_call(
        _dec1_body,
        grid=(B, 2, 2, 4),
        in_specs=[pl.BlockSpec((1, 58, 58, 32),
                               lambda b, a, c, t: (b, 0, 0, 0)),
                  pl.BlockSpec((4, 4, 32, 64),
                               lambda b, a, c, t: (0, 0, 0, 0)),
                  pl.BlockSpec((1, 64), lambda b, a, c, t: (0, 0))],
        out_specs=pl.BlockSpec((1, 1, 1, 784, 64),
                               lambda b, a, c, t: (b, a, c, t, 0)),
        out_shape=jax.ShapeDtypeStruct((B, 2, 2, 3136, 64), F32),
    )(qp, wd1, dec1_b.reshape(1, 64))
    y = yp.reshape(B, 2, 2, 56, 56, 64).transpose(0, 3, 1, 4, 2, 5)
    y = y.reshape(B, 112, 112, 64)
    ypad = jnp.pad(y, ((0, 0), (1, 1), (1, 1), (0, 0)))

    wd2 = jnp.zeros((3, 3, 64, 4), F32)
    for kh in range(4):
        for kw in range(4):
            wd2 = wd2.at[(kh + 1) // 2, (kw + 1) // 2, :,
                         2 * (kh % 2) + (kw % 2)].set(dec2_w[0, :, kh, kw])
    recon_p = pl.pallas_call(
        _dec2_body,
        grid=(B, 4),
        in_specs=[pl.BlockSpec((1, 114, 114, 64),
                               lambda b, t: (b, 0, 0, 0)),
                  pl.BlockSpec((3, 3, 64, 4), lambda b, t: (0, 0, 0, 0)),
                  pl.BlockSpec((1, 1), lambda b, t: (0, 0))],
        out_specs=pl.BlockSpec((1, 3136, 4), lambda b, t: (b, t, 0)),
        out_shape=jax.ShapeDtypeStruct((B, 12544, 4), F32),
    )(ypad, wd2, dec2_b.reshape(1, 1))
    x_recon = recon_p.reshape(B, 112, 112, 2, 2).transpose(0, 1, 3, 2, 4)
    x_recon = x_recon.reshape(B, 1, 224, 224)
    return (x_recon, vq_loss, indices)

# --- scband reference (transcript-rebuilt; emitter-appended) ---
"""Pipeline reference for scband-vqvae-30872224923679 (READ-ONLY COPY).

The authoritative reference and input builder live on the scoring server;
editing this copy changes nothing except your own understanding.
"""

import jax, jax.numpy as jnp
import numpy as np
from jax import lax

HIDDEN = 64
EMBED = 32
K = 1024
COMMIT = 0.25


def setup_inputs(seed: int = 0) -> dict:
    key = jax.random.key(seed)
    ks = jax.random.split(key, 12)
    x = jax.random.uniform(ks[0], (16, 1, 224, 224), dtype=jnp.float32)
    enc1_w = jax.random.normal(ks[1], (HIDDEN, 1, 4, 4), dtype=jnp.float32) * 0.1
    enc1_b = jnp.zeros((HIDDEN,), dtype=jnp.float32)
    enc2_w = jax.random.normal(ks[2], (EMBED, HIDDEN, 4, 4), dtype=jnp.float32) * 0.05
    enc2_b = jnp.zeros((EMBED,), dtype=jnp.float32)
    codebook = jax.random.uniform(ks[3], (K, EMBED), dtype=jnp.float32, minval=-1.0 / K, maxval=1.0 / K)
    dec1_w = jax.random.normal(ks[4], (HIDDEN, EMBED, 4, 4), dtype=jnp.float32) * 0.05
    dec1_b = jnp.zeros((HIDDEN,), dtype=jnp.float32)
    dec2_w = jax.random.normal(ks[5], (1, HIDDEN, 4, 4), dtype=jnp.float32) * 0.05
    dec2_b = jnp.zeros((1,), dtype=jnp.float32)
    return {"x": x, "enc1_w": enc1_w, "enc1_b": enc1_b, "enc2_w": enc2_w, "enc2_b": enc2_b,
            "codebook": codebook, "dec1_w": dec1_w, "dec1_b": dec1_b, "dec2_w": dec2_w, "dec2_b": dec2_b}


def _conv(x, w, b):
    y = lax.conv_general_dilated(x, w, window_strides=(2, 2), padding=((1, 1), (1, 1)),
                                 dimension_numbers=("NCHW", "OIHW", "NCHW"))
    return y + b[None, :, None, None]


def _tconv(x, w, b):
    # PyTorch ConvTranspose2d(k=4, s=2, p=1): out = 2*in. Equivalent explicit padding = k-1-p = 2.
    y = lax.conv_transpose(x, w, strides=(2, 2), padding=((2, 2), (2, 2)),
                           dimension_numbers=("NCHW", "OIHW", "NCHW"))
    return y + b[None, :, None, None]


def reference(x, enc1_w, enc1_b, enc2_w, enc2_b, codebook, dec1_w, dec1_b, dec2_w, dec2_b):
    # Encoder
    z = jax.nn.relu(_conv(x, enc1_w, enc1_b))
    z = _conv(z, enc2_w, enc2_b)
    B, C, H, W = z.shape
    # Vector quantizer
    zf = jnp.transpose(z, (0, 2, 3, 1)).reshape(-1, C)
    distances = (jnp.sum(zf ** 2, axis=1, keepdims=True)
                 + jnp.sum(codebook ** 2, axis=1)
                 - 2.0 * jnp.matmul(zf, codebook.T))
    encoding_indices = jnp.argmin(distances, axis=1)
    encodings = jax.nn.one_hot(encoding_indices, K, dtype=jnp.float32)
    quantized = jnp.matmul(encodings, codebook)
    quantized = quantized.reshape(B, H, W, C)
    quantized = jnp.transpose(quantized, (0, 3, 1, 2))
    e_latent_loss = jnp.mean((lax.stop_gradient(quantized) - z) ** 2)
    q_latent_loss = jnp.mean((quantized - lax.stop_gradient(z)) ** 2)
    vq_loss = q_latent_loss + COMMIT * e_latent_loss
    quantized_st = z + lax.stop_gradient(quantized - z)
    indices = encoding_indices.reshape(B, H, W)
    # Decoder
    y = jax.nn.relu(_tconv(quantized_st, dec1_w, dec1_b))
    x_recon = jax.nn.sigmoid(_tconv(y, dec2_w, dec2_b))
    return (x_recon, vq_loss, indices)

if __name__ == "__main__":
    import jax
    _d = setup_inputs()
    print(jax.jit(kernel)(*tuple(_d.values())))

</pallas_src>

<mosaic_0001>
module attributes {stable_mosaic.version = 14 : i64} {
  func.func @_enc1_body(%arg0: i32, %arg1: i32, %arg2: memref<1x3136x16xf32, #tpu.memory_space<vmem>>, %arg3: memref<16x64xf32, #tpu.memory_space<vmem>>, %arg4: memref<1x64xf32, #tpu.memory_space<vmem>>, %arg5: memref<1x3136x64xf32, #tpu.memory_space<vmem>>) attributes {dimension_semantics = [#tpu.dimension_semantics<arbitrary>, #tpu.dimension_semantics<arbitrary>], iteration_bounds = array<i64: 16, 4>, scalar_prefetch = 0 : i64, scratch_operands = 0 : i64, tpu.core_type = #tpu.core_type<tc>, window_params = [{transform_indices = @transform_0, window_bounds = array<i64: 1, 3136, 16>}, {pipeline_mode = #tpu.pipeline_mode<synchronous>, transform_indices = @transform_1, window_bounds = array<i64: 16, 64>}, {pipeline_mode = #tpu.pipeline_mode<synchronous>, transform_indices = @transform_2, window_bounds = array<i64: 1, 64>}, {transform_indices = @transform_3, window_bounds = array<i64: 1, 3136, 64>}]} {
    %get3A = arith.constant 0 : index
    %get3A_0 = arith.constant 0 : index
    %get3A_1 = arith.constant 0 : index
    %get3A_2 = vector.load %arg2[%get3A, %get3A_0, %get3A_1] : memref<1x3136x16xf32, #tpu.memory_space<vmem>>, vector<1x3136x16xf32>
    %get3A_3 = vector.shape_cast %get3A_2 : vector<1x3136x16xf32> to vector<3136x16xf32>
    %get3A_4 = arith.constant 0 : index
    %get3A_5 = arith.constant 0 : index
    %get3A_6 = vector.load %arg3[%get3A_4, %get3A_5] : memref<16x64xf32, #tpu.memory_space<vmem>>, vector<16x64xf32>
    %dot_general3A = arith.constant dense<0.000000e+00> : vector<3136x64xf32>
    %dot_general3A_7 = tpu.matmul %get3A_3, %get3A_6, %dot_general3A {dimension_numbers = #tpu.dot_dimension_numbers<[1], [0], [0], [1], [0, 0, 1, 1], [], []>, transpose_lhs_hint = false} : vector<3136x16xf32>, vector<16x64xf32>, vector<3136x64xf32> -> vector<3136x64xf32>
    %get3A_8 = arith.constant 0 : index
    %get3A_9 = arith.constant 0 : index
    %get3A_10 = vector.load %arg4[%get3A_8, %get3A_9] : memref<1x64xf32, #tpu.memory_space<vmem>>, vector<1x64xf32>
    %add3A = vector.broadcast %get3A_10 : vector<1x64xf32> to vector<3136x64xf32>
    %add3A_11 = arith.addf %dot_general3A_7, %add3A : vector<3136x64xf32>
    %max3A = arith.constant 0.000000e+00 : f32
    %max3A_12 = vector.broadcast %max3A : f32 to vector<3136x64xf32>
    %max3A_13 = arith.maximumf %add3A_11, %max3A_12 : vector<3136x64xf32>
    %swap3A = arith.constant 0 : index
    %swap3A_14 = arith.constant 0 : index
    %swap3A_15 = arith.constant 0 : index
    %swap3A_16 = vector.load %arg5[%swap3A, %swap3A_14, %swap3A_15] : memref<1x3136x64xf32, #tpu.memory_space<vmem>>, vector<1x3136x64xf32>
    %swap3A_17 = vector.shape_cast %swap3A_16 : vector<1x3136x64xf32> to vector<3136x64xf32>
    %swap3A_18 = vector.shape_cast %max3A_13 : vector<3136x64xf32> to vector<1x3136x64xf32>
    tpu.vector_store %arg5[%swap3A, %swap3A_14, %swap3A_15], %swap3A_18 {strides = array<i32>} : memref<1x3136x64xf32, #tpu.memory_space<vmem>>, vector<1x3136x64xf32>,
    return
  }
  func.func @transform_0(%arg0: i32, %arg1: i32) -> (i32, i32, i32) {
    %c0_i32 = arith.constant 0 : i32
    %c0_i32_0 = arith.constant 0 : i32
    return %arg0, %arg1, %c0_i32 : i32, i32, i32
  }
  func.func @transform_1(%arg0: i32, %arg1: i32) -> (i32, i32) {
    %c0_i32 = arith.constant 0 : i32
    %c0_i32_0 = arith.constant 0 : i32
    %c0_i32_1 = arith.constant 0 : i32
    return %c0_i32, %c0_i32_0 : i32, i32
  }
  func.func @transform_2(%arg0: i32, %arg1: i32) -> (i32, i32) {
    %c0_i32 = arith.constant 0 : i32
    %c0_i32_0 = arith.constant 0 : i32
    %c0_i32_1 = arith.constant 0 : i32
    return %c0_i32, %c0_i32_0 : i32, i32
  }
  func.func @transform_3(%arg0: i32, %arg1: i32) -> (i32, i32, i32) {
    %c0_i32 = arith.constant 0 : i32
    %c0_i32_0 = arith.constant 0 : i32
    return %arg0, %arg1, %c0_i32 : i32, i32, i32
  }
}

module attributes {stable_mosaic.version = 14 : i64} {
  func.func @_enc2_body(%arg0: i32, %arg1: i32, %arg2: memref<1x2x2x57x57x64xf32, #tpu.memory_space<vmem>>, %arg3: memref<16x64x32xf32, #tpu.memory_space<vmem>>, %arg4: memref<1x32xf32, #tpu.memory_space<vmem>>, %arg5: memref<1x784x32xf32, #tpu.memory_space<vmem>>) attributes {dimension_semantics = [#tpu.dimension_semantics<arbitrary>, #tpu.dimension_semantics<arbitrary>], iteration_bounds = array<i64: 16, 4>, scalar_prefetch = 0 : i64, scratch_operands = 0 : i64, tpu.core_type = #tpu.core_type<tc>, window_params = [{transform_indices = @transform_0, window_bounds = array<i64: 1, 2, 2, 57, 57, 64>}, {pipeline_mode = #tpu.pipeline_mode<synchronous>, transform_indices = @transform_1, window_bounds = array<i64: 16, 64, 32>}, {pipeline_mode = #tpu.pipeline_mode<synchronous>, transform_indices = @transform_2, window_bounds = array<i64: 1, 32>}, {transform_indices = @transform_3, window_bounds = array<i64: 1, 784, 32>}]} {
    %broadcast_in_dim3A = arith.constant 0.000000e+00 : f32
    %broadcast_in_dim3A_0 = vector.broadcast %broadcast_in_dim3A : f32 to vector<784x32xf32>
    %mul3A = arith.constant 14 : i32
    %mul3A_1 = arith.muli %mul3A, %arg1 : i32
    %add3A = arith.constant 0 : i32
    %add3A_2 = arith.addi %mul3A_1, %add3A : i32
    %get3A = arith.constant 0 : index
    %get3A_3 = arith.constant 0 : index
    %get3A_4 = arith.constant 0 : index
    %get3A_5 = arith.index_cast %add3A_2 : i32 to index
    %get3A_6 = arith.constant 0 : index
    %get3A_7 = arith.constant 0 : index
    %get3A_8 = vector.load %arg2[%get3A, %get3A_3, %get3A_4, %get3A_5, %get3A_6, %get3A_7] : memref<1x2x2x57x57x64xf32, #tpu.memory_space<vmem>>, vector<1x1x1x14x56x64xf32>
    %get3A_9 = vector.shape_cast %get3A_8 : vector<1x1x1x14x56x64xf32> to vector<14x56x64xf32>
    %reshape3A = vector.shape_cast %get3A_9 : vector<14x56x64xf32> to vector<784x64xf32>
    %get3A_10 = arith.constant 0 : index
    %get3A_11 = arith.constant 0 : index
    %get3A_12 = arith.constant 0 : index
    %get3A_13 = vector.load %arg3[%get3A_10, %get3A_11, %get3A_12] : memref<16x64x32xf32, #tpu.memory_space<vmem>>, vector<1x64x32xf32>
    %get3A_14 = vector.shape_cast %get3A_13 : vector<1x64x32xf32> to vector<64x32xf32>
    %dot_general3A = arith.constant dense<0.000000e+00> : vector<784x32xf32>
    %dot_general3A_15 = tpu.matmul %reshape3A, %get3A_14, %dot_general3A {dimension_numbers = #tpu.dot_dimension_numbers<[1], [0], [0], [1], [0, 0, 1, 1], [], []>, transpose_lhs_hint = false} : vector<784x64xf32>, vector<64x32xf32>, vector<784x32xf32> -> vector<784x32xf32>
    %add3A_16 = arith.addf %broadcast_in_dim3A_0, %dot_general3A_15 : vector<784x32xf32>
    %mul3A_17 = arith.constant 14 : i32
    %mul3A_18 = arith.muli %mul3A_17, %arg1 : i32
    %add3A_19 = arith.constant 0 : i32
    %add3A_20 = arith.addi %mul3A_18, %add3A_19 : i32
    %get3A_21 = arith.constant 0 : index
    %get3A_22 = arith.constant 0 : index
    %get3A_23 = arith.constant 1 : index
    %get3A_24 = arith.index_cast %add3A_20 : i32 to index
    %get3A_25 = arith.constant 0 : index
    %get3A_26 = arith.constant 0 : index
    %get3A_27 = vector.load %arg2[%get3A_21, %get3A_22, %get3A_23, %get3A_24, %get3A_25, %get3A_26] : memref<1x2x2x57x57x64xf32, #tpu.memory_space<vmem>>, vector<1x1x1x14x56x64xf32>
    %get3A_28 = vector.shape_cast %get3A_27 : vector<1x1x1x14x56x64xf32> to vector<14x56x64xf32>
    %reshape3A_29 = vector.shape_cast %get3A_28 : vector<14x56x64xf32> to vector<784x64xf32>
    %get3A_30 = arith.constant 1 : index
    %get3A_31 = arith.constant 0 : index
    %get3A_32 = arith.constant 0 : index
    %get3A_33 = vector.load %arg3[%get3A_30, %get3A_31, %get3A_32] : memref<16x64x32xf32, #tpu.memory_space<vmem>>, vector<1x64x32xf32>
    %get3A_34 = vector.shape_cast %get3A_33 : vector<1x64x32xf32> to vector<64x32xf32>
    %dot_general3A_35 = arith.constant dense<0.000000e+00> : vector<784x32xf32>
    %dot_general3A_36 = tpu.matmul %reshape3A_29, %get3A_34, %dot_general3A_35 {dimension_numbers = #tpu.dot_dimension_numbers<[1], [0], [0], [1], [0, 0, 1, 1], [], []>, transpose_lhs_hint = false} : vector<784x64xf32>, vector<64x32xf32>, vector<784x32xf32> -> vector<784x32xf32>
    %add3A_37 = arith.addf %add3A_16, %dot_general3A_36 : vector<784x32xf32>
    %mul3A_38 = arith.constant 14 : i32
    %mul3A_39 = arith.muli %mul3A_38, %arg1 : i32
    %add3A_40 = arith.constant 0 : i32
    %add3A_41 = arith.addi %mul3A_39, %add3A_40 : i32
    %get3A_42 = arith.constant 0 : index
    %get3A_43 = arith.constant 0 : index
    %get3A_44 = arith.constant 0 : index
    %get3A_45 = arith.index_cast %add3A_41 : i32 to index
    %get3A_46 = arith.constant 1 : index
    %get3A_47 = arith.constant 0 : index
    %get3A_48 = vector.load %arg2[%get3A_42, %get3A_43, %get3A_44, %get3A_45, %get3A_46, %get3A_47] : memref<1x2x2x57x57x64xf32, #tpu.memory_space<vmem>>, vector<1x1x1x14x56x64xf32>
    %get3A_49 = vector.shape_cast %get3A_48 : vector<1x1x1x14x56x64xf32> to vector<14x56x64xf32>
    %reshape3A_50 = vector.shape_cast %get3A_49 : vector<14x56x64xf32> to vector<784x64xf32>
    %get3A_51 = arith.constant 2 : index
    %get3A_52 = arith.constant 0 : index
    %get3A_53 = arith.constant 0 : index
    %get3A_54 = vector.load %arg3[%get3A_51, %get3A_52, %get3A_53] : memref<16x64x32xf32, #tpu.memory_space<vmem>>, vector<1x64x32xf32>
    %get3A_55 = vector.shape_cast %get3A_54 : vector<1x64x32xf32> to vector<64x32xf32>
    %dot_general3A_56 = arith.constant dense<0.000000e+00> : vector<784x32xf32>
    %dot_general3A_57 = tpu.matmul %reshape3A_50, %get3A_55, %dot_general3A_56 {dimension_numbers = #tpu.dot_dimension_numbers<[1], [0], [0], [1], [0, 0, 1, 1], [], []>, transpose_lhs_hint = false} : vector<784x64xf32>, vector<64x32xf32>, vector<784x32xf32> -> vector<784x32xf32>
    %add3A_58 = arith.addf %add3A_37, %dot_general3A_57 : vector<784x32xf32>
    %mul3A_59 = arith.constant 14 : i32
    %mul3A_60 = arith.muli %mul3A_59, %arg1 : i32
    %add3A_61 = arith.constant 0 : i32
    %add3A_62 = arith.addi %mul3A_60, %add3A_61 : i32
    %get3A_63 = arith.constant 0 : index
    %get3A_64 = arith.constant 0 : index
    %get3A_65 = arith.constant 1 : index
    %get3A_66 = arith.index_cast %add3A_62 : i32 to index
    %get3A_67 = arith.constant 1 : index
    %get3A_68 = arith.constant 0 : index
    %get3A_69 = vector.load %arg2[%get3A_63, %get3A_64, %get3A_65, %get3A_66, %get3A_67, %get3A_68] : memref<1x2x2x57x57x64xf32, #tpu.memory_space<vmem>>, vector<1x1x1x14x56x64xf32>
    %get3A_70 = vector.shape_cast %get3A_69 : vector<1x1x1x14x56x64xf32> to vector<14x56x64xf32>
    %reshape3A_71 = vector.shape_cast %get3A_70 : vector<14x56x64xf32> to vector<784x64xf32>
    %get3A_72 = arith.constant 3 : index
    %get3A_73 = arith.constant 0 : index
    %get3A_74 = arith.constant 0 : index
    %get3A_75 = vector.load %arg3[%get3A_72, %get3A_73, %get3A_74] : memref<16x64x32xf32, #tpu.memory_space<vmem>>, vector<1x64x32xf32>
    %get3A_76 = vector.shape_cast %get3A_75 : vector<1x64x32xf32> to vector<64x32xf32>
    %dot_general3A_77 = arith.constant dense<0.000000e+00> : vector<784x32xf32>
    %dot_general3A_78 = tpu.matmul %reshape3A_71, %get3A_76, %dot_general3A_77 {dimension_numbers = #tpu.dot_dimension_numbers<[1], [0], [0], [1], [0, 0, 1, 1], [], []>, transpose_lhs_hint = false} : vector<784x64xf32>, vector<64x32xf32>, vector<784x32xf32> -> vector<784x32xf32>
    %add3A_79 = arith.addf %add3A_58, %dot_general3A_78 : vector<784x32xf32>
    %mul3A_80 = arith.constant 14 : i32
    %mul3A_81 = arith.muli %mul3A_80, %arg1 : i32
    %add3A_82 = arith.constant 0 : i32
    %add3A_83 = arith.addi %mul3A_81, %add3A_82 : i32
    %get3A_84 = arith.constant 0 : index
    %get3A_85 = arith.constant 1 : index
    %get3A_86 = arith.constant 0 : index
    %get3A_87 = arith.index_cast %add3A_83 : i32 to index
    %get3A_88 = arith.constant 0 : index
    %get3A_89 = arith.constant 0 : index
    %get3A_90 = vector.load %arg2[%get3A_84, %get3A_85, %get3A_86, %get3A_87, %get3A_88, %get3A_89] : memref<1x2x2x57x57x64xf32, #tpu.memory_space<vmem>>, vector<1x1x1x14x56x64xf32>
    %get3A_91 = vector.shape_cast %get3A_90 : vector<1x1x1x14x56x64xf32> to vector<14x56x64xf32>
    %reshape3A_92 = vector.shape_cast %get3A_91 : vector<14x56x64xf32> to vector<784x64xf32>
    %get3A_93 = arith.constant 4 : index
    %get3A_94 = arith.constant 0 : index
    %get3A_95 = arith.constant 0 : index
    %get3A_96 = vector.load %arg3[%get3A_93, %get3A_94, %get3A_95] : memref<16x64x32xf32, #tpu.memory_space<vmem>>, vector<1x64x32xf32>
    %get3A_97 = vector.shape_cast %get3A_96 : vector<1x64x32xf32> to vector<64x32xf32>
    %dot_general3A_98 = arith.constant dense<0.000000e+00> : vector<784x32xf32>
    %dot_general3A_99 = tpu.matmul %reshape3A_92, %get3A_97, %dot_general3A_98 {dimension_numbers = #tpu.dot_dimension_numbers<[1], [0], [0], [1], [0, 0, 1, 1], [], []>, transpose_lhs_hint = false} : vector<784x64xf32>, vector<64x32xf32>, vector<784x32xf32> -> vector<784x32xf32>
    %add3A_100 = arith.addf %add3A_79, %dot_general3A_99 : vector<784x32xf32>
    %mul3A_101 = arith.constant 14 : i32
    %mul3A_102 = arith.muli %mul3A_101, %arg1 : i32
    %add3A_103 = arith.constant 0 : i32
    %add3A_104 = arith.addi %mul3A_102, %add3A_103 : i32
    %get3A_105 = arith.constant 0 : index
    %get3A_106 = arith.constant 1 : index
    %get3A_107 = arith.constant 1 : index
    %get3A_108 = arith.index_cast %add3A_104 : i32 to index
    %get3A_109 = arith.constant 0 : index
    %get3A_110 = arith.constant 0 : index
    %get3A_111 = vector.load %arg2[%get3A_105, %get3A_106, %get3A_107, %get3A_108, %get3A_109, %get3A_110] : memref<1x2x2x57x57x64xf32, #tpu.memory_space<vmem>>, vector<1x1x1x14x56x64xf32>
    %get3A_112 = vector.shape_cast %get3A_111 : vector<1x1x1x14x56x64xf32> to vector<14x56x64xf32>
    %reshape3A_113 = vector.shape_cast %get3A_112 : vector<14x56x64xf32> to vector<784x64xf32>
    %get3A_114 = arith.constant 5 : index
    %get3A_115 = arith.constant 0 : index
    %get3A_116 = arith.constant 0 : index
    %get3A_117 = vector.load %arg3[%get3A_114, %get3A_115, %get3A_116] : memref<16x64x32xf32, #tpu.memory_space<vmem>>, vector<1x64x32xf32>
    %get3A_118 = vector.shape_cast %get3A_117 : vector<1x64x32xf32> to vector<64x32xf32>
    %dot_general3A_119 = arith.constant dense<0.000000e+00> : vector<784x32xf32>
    %dot_general3A_120 = tpu.matmul %reshape3A_113, %get3A_118, %dot_general3A_119 {dimension_numbers = #tpu.dot_dimension_numbers<[1], [0], [0], [1], [0, 0, 1, 1], [], []>, transpose_lhs_hint = false} : vector<784x64xf32>, vector<64x32xf32>, vector<784x32xf32> -> vector<784x32xf32>
    %add3A_121 = arith.addf %add3A_100, %dot_general3A_120 : vector<784x32xf32>
    %mul3A_122 = arith.constant 14 : i32
    %mul3A_123 = arith.muli %mul3A_122, %arg1 : i32
    %add3A_124 = arith.constant 0 : i32
    %add3A_125 = arith.addi %mul3A_123, %add3A_124 : i32
    %get3A_126 = arith.constant 0 : index
    %get3A_127 = arith.constant 1 : index
    %get3A_128 = arith.constant 0 : index
    %get3A_129 = arith.index_cast %add3A_125 : i32 to index
    %get3A_130 = arith.constant 1 : index
    %get3A_131 = arith.constant 0 : index
    %get3A_132 = vector.load %arg2[%get3A_126, %get3A_127, %get3A_128, %get3A_129, %get3A_130, %get3A_131] : memref<1x2x2x57x57x64xf32, #tpu.memory_space<vmem>>, vector<1x1x1x14x56x64xf32>
    %get3A_133 = vector.shape_cast %get3A_132 : vector<1x1x1x14x56x64xf32> to vector<14x56x64xf32>
    %reshape3A_134 = vector.shape_cast %get3A_133 : vector<14x56x64xf32> to vector<784x64xf32>
    %get3A_135 = arith.constant 6 : index
    %get3A_136 = arith.constant 0 : index
    %get3A_137 = arith.constant 0 : index
    %get3A_138 = vector.load %arg3[%get3A_135, %get3A_136, %get3A_137] : memref<16x64x32xf32, #tpu.memory_space<vmem>>, vector<1x64x32xf32>
    %get3A_139 = vector.shape_cast %get3A_138 : vector<1x64x32xf32> to vector<64x32xf32>
    %dot_general3A_140 = arith.constant dense<0.000000e+00> : vector<784x32xf32>
    %dot_general3A_141 = tpu.matmul %reshape3A_134, %get3A_139, %dot_general3A_140 {dimension_numbers = #tpu.dot_dimension_numbers<[1], [0], [0], [1], [0, 0, 1, 1], [], []>, transpose_lhs_hint = false} : vector<784x64xf32>, vector<64x32xf32>, vector<784x32xf32> -> vector<784x32xf32>
    %add3A_142 = arith.addf %add3A_121, %dot_general3A_141 : vector<784x32xf32>
    %mul3A_143 = arith.constant 14 : i32
    %mul3A_144 = arith.muli %mul3A_143, %arg1 : i32
    %add3A_145 = arith.constant 0 : i32
    %add3A_146 = arith.addi %mul3A_144, %add3A_145 : i32
    %get3A_147 = arith.constant 0 : index
    %get3A_148 = arith.constant 1 : index
    %get3A_149 = arith.constant 1 : index
    %get3A_150 = arith.index_cast %add3A_146 : i32 to index
    %get3A_151 = arith.constant 1 : index
    %get3A_152 = arith.constant 0 : index
    %get3A_153 = vector.load %arg2[%get3A_147, %get3A_148, %get3A_149, %get3A_150, %get3A_151, %get3A_152] : memref<1x2x2x57x57x64xf32, #tpu.memory_space<vmem>>, vector<1x1x1x14x56x64xf32>
    %get3A_154 = vector.shape_cast %get3A_153 : vector<1x1x1x14x56x64xf32> to vector<14x56x64xf32>
    %reshape3A_155 = vector.shape_cast %get3A_154 : vector<14x56x64xf32> to vector<784x64xf32>
    %get3A_156 = arith.constant 7 : index
    %get3A_157 = arith.constant 0 : index
    %get3A_158 = arith.constant 0 : index
    %get3A_159 = vector.load %arg3[%get3A_156, %get3A_157, %get3A_158] : memref<16x64x32xf32, #tpu.memory_space<vmem>>, vector<1x64x32xf32>
    %get3A_160 = vector.shape_cast %get3A_159 : vector<1x64x32xf32> to vector<64x32xf32>
    %dot_general3A_161 = arith.constant dense<0.000000e+00> : vector<784x32xf32>
    %dot_general3A_162 = tpu.matmul %reshape3A_155, %get3A_160, %dot_general3A_161 {dimension_numbers = #tpu.dot_dimension_numbers<[1], [0], [0], [1], [0, 0, 1, 1], [], []>, transpose_lhs_hint = false} : vector<784x64xf32>, vector<64x32xf32>, vector<784x32xf32> -> vector<784x32xf32>
    %add3A_163 = arith.addf %add3A_142, %dot_general3A_162 : vector<784x32xf32>
    %mul3A_164 = arith.constant 14 : i32
    %mul3A_165 = arith.muli %mul3A_164, %arg1 : i32
    %add3A_166 = arith.constant 1 : i32
    %add3A_167 = arith.addi %mul3A_165, %add3A_166 : i32
    %get3A_168 = arith.constant 0 : index
    %get3A_169 = arith.constant 0 : index
    %get3A_170 = arith.constant 0 : index
    %get3A_171 = arith.index_cast %add3A_167 : i32 to index
    %get3A_172 = arith.constant 0 : index
    %get3A_173 = arith.constant 0 : index
    %get3A_174 = vector.load %arg2[%get3A_168, %get3A_169, %get3A_170, %get3A_171, %get3A_172, %get3A_173] : memref<1x2x2x57x57x64xf32, #tpu.memory_space<vmem>>, vector<1x1x1x14x56x64xf32>
    %get3A_175 = vector.shape_cast %get3A_174 : vector<1x1x1x14x56x64xf32> to vector<14x56x64xf32>
    %reshape3A_176 = vector.shape_cast %get3A_175 : vector<14x56x64xf32> to vector<784x64xf32>
    %get3A_177 = arith.constant 8 : index
    %get3A_178 = arith.constant 0 : index
    %get3A_179 = arith.constant 0 : index
    %get3A_180 = vector.load %arg3[%get3A_177, %get3A_178, %get3A_179] : memref<16x64x32xf32, #tpu.memory_space<vmem>>, vector<1x64x32xf32>
    %get3A_181 = vector.shape_cast %get3A_180 : vector<1x64x32xf32> to vector<64x32xf32>
    %dot_general3A_182 = arith.constant dense<0.000000e+00> : vector<784x32xf32>
    %dot_general3A_183 = tpu.matmul %reshape3A_176, %get3A_181, %dot_general3A_182 {dimension_numbers = #tpu.dot_dimension_numbers<[1], [0], [0], [1], [0, 0, 1, 1], [], []>, transpose_lhs_hint = false} : vector<784x64xf32>, vector<64x32xf32>, vector<784x32xf32> -> vector<784x32xf32>
    %add3A_184 = arith.addf %add3A_163, %dot_general3A_183 : vector<784x32xf32>
    %mul3A_185 = arith.constant 14 : i32
    %mul3A_186 = arith.muli %mul3A_185, %arg1 : i32
    %add3A_187 = arith.constant 1 : i32
    %add3A_188 = arith.addi %mul3A_186, %add3A_187 : i32
    %get3A_189 = arith.constant 0 : index
    %get3A_190 = arith.constant 0 : index
    %get3A_191 = arith.constant 1 : index
    %get3A_192 = arith.index_cast %add3A_188 : i32 to index
    %get3A_193 = arith.constant 0 : index
    %get3A_194 = arith.constant 0 : index
    %get3A_195 = vector.load %arg2[%get3A_189, %get3A_190, %get3A_191, %get3A_192, %get3A_193, %get3A_194] : memref<1x2x2x57x57x64xf32, #tpu.memory_space<vmem>>, vector<1x1x1x14x56x64xf32>
    %get3A_196 = vector.shape_cast %get3A_195 : vector<1x1x1x14x56x64xf32> to vector<14x56x64xf32>
    %reshape3A_197 = vector.shape_cast %get3A_196 : vector<14x56x64xf32> to vector<784x64xf32>
    %get3A_198 = arith.constant 9 : index
    %get3A_199 = arith.constant 0 : index
    %get3A_200 = arith.constant 0 : index
    %get3A_201 = vector.load %arg3[%get3A_198, %get3A_199, %get3A_200] : memref<16x64x32xf32, #tpu.memory_space<vmem>>, vector<1x64x32xf32>
    %get3A_202 = vector.shape_cast %get3A_201 : vector<1x64x32xf32> to vector<64x32xf32>
    %dot_general3A_203 = arith.constant dense<0.000000e+00> : vector<784x32xf32>
    %dot_general3A_204 = tpu.matmul %reshape3A_197, %get3A_202, %dot_general3A_203 {dimension_numbers = #tpu.dot_dimension_numbers<[1], [0], [0], [1], [0, 0, 1, 1], [], []>, transpose_lhs_hint = false} : vector<784x64xf32>, vector<64x32xf32>, vector<784x32xf32> -> vector<784x32xf32>
    %add3A_205 = arith.addf %add3A_184, %dot_general3A_204 : vector<784x32xf32>
    %mul3A_206 = arith.constant 14 : i32
    %mul3A_207 = arith.muli %mul3A_206, %arg1 : i32
    %add3A_208 = arith.constant 1 : i32
    %add3A_209 = arith.addi %mul3A_207, %add3A_208 : i32
    %get3A_210 = arith.constant 0 : index
    %get3A_211 = arith.constant 0 : index
    %get3A_212 = arith.constant 0 : index
    %get3A_213 = arith.index_cast %add3A_209 : i32 to index
    %get3A_214 = arith.constant 1 : index
    %get3A_215 = arith.constant 0 : index
    %get3A_216 = vector.load %arg2[%get3A_210, %get3A_211, %get3A_212, %get3A_213, %get3A_214, %get3A_215] : memref<1x2x2x57x57x64xf32, #tpu.memory_space<vmem>>, vector<1x1x1x14x56x64xf32>
    %get3A_217 = vector.shape_cast %get3A_216 : vector<1x1x1x14x56x64xf32> to vector<14x56x64xf32>
    %reshape3A_218 = vector.shape_cast %get3A_217 : vector<14x56x64xf32> to vector<784x64xf32>
    %get3A_219 = arith.constant 10 : index
    %get3A_220 = arith.constant 0 : index
    %get3A_221 = arith.constant 0 : index
    %get3A_222 = vector.load %arg3[%get3A_219, %get3A_220, %get3A_221] : memref<16x64x32xf32, #tpu.memory_space<vmem>>, vector<1x64x32xf32>
    %get3A_223 = vector.shape_cast %get3A_222 : vector<1x64x32xf32> to vector<64x32xf32>
    %dot_general3A_224 = arith.constant dense<0.000000e+00> : vector<784x32xf32>
    %dot_general3A_225 = tpu.matmul %reshape3A_218, %get3A_223, %dot_general3A_224 {dimension_numbers = #tpu.dot_dimension_numbers<[1], [0], [0], [1], [0, 0, 1, 1], [], []>, transpose_lhs_hint = false} : vector<784x64xf32>, vector<64x32xf32>, vector<784x32xf32> -> vector<784x32xf32>
    %add3A_226 = arith.addf %add3A_205, %dot_general3A_225 : vector<784x32xf32>
    %mul3A_227 = arith.constant 14 : i32
    %mul3A_228 = arith.muli %mul3A_227, %arg1 : i32
    %add3A_229 = arith.constant 1 : i32
    %add3A_230 = arith.addi %mul3A_228, %add3A_229 : i32
    %get3A_231 = arith.constant 0 : index
    %get3A_232 = arith.constant 0 : index
    %get3A_233 = arith.constant 1 : index
    %get3A_234 = arith.index_cast %add3A_230 : i32 to index
    %get3A_235 = arith.constant 1 : index
    %get3A_236 = arith.constant 0 : index
    %get3A_237 = vector.load %arg2[%get3A_231, %get3A_232, %get3A_233, %get3A_234, %get3A_235, %get3A_236] : memref<1x2x2x57x57x64xf32, #tpu.memory_space<vmem>>, vector<1x1x1x14x56x64xf32>
    %get3A_238 = vector.shape_cast %get3A_237 : vector<1x1x1x14x56x64xf32> to vector<14x56x64xf32>
    %reshape3A_239 = vector.shape_cast %get3A_238 : vector<14x56x64xf32> to vector<784x64xf32>
    %get3A_240 = arith.constant 11 : index
    %get3A_241 = arith.constant 0 : index
    %get3A_242 = arith.constant 0 : index
    %get3A_243 = vector.load %arg3[%get3A_240, %get3A_241, %get3A_242] : memref<16x64x32xf32, #tpu.memory_space<vmem>>, vector<1x64x32xf32>
    %get3A_244 = vector.shape_cast %get3A_243 : vector<1x64x32xf32> to vector<64x32xf32>
    %dot_general3A_245 = arith.constant dense<0.000000e+00> : vector<784x32xf32>
    %dot_general3A_246 = tpu.matmul %reshape3A_239, %get3A_244, %dot_general3A_245 {dimension_numbers = #tpu.dot_dimension_numbers<[1], [0], [0], [1], [0, 0, 1, 1], [], []>, transpose_lhs_hint = false} : vector<784x64xf32>, vector<64x32xf32>, vector<784x32xf32> -> vector<784x32xf32>
    %add3A_247 = arith.addf %add3A_226, %dot_general3A_246 : vector<784x32xf32>
    %mul3A_248 = arith.constant 14 : i32
    %mul3A_249 = arith.muli %mul3A_248, %arg1 : i32
    %add3A_250 = arith.constant 1 : i32
    %add3A_251 = arith.addi %mul3A_249, %add3A_250 : i32
    %get3A_252 = arith.constant 0 : index
    %get3A_253 = arith.constant 1 : index
    %get3A_254 = arith.constant 0 : index
    %get3A_255 = arith.index_cast %add3A_251 : i32 to index
    %get3A_256 = arith.constant 0 : index
    %get3A_257 = arith.constant 0 : index
    %get3A_258 = vector.load %arg2[%get3A_252, %get3A_253, %get3A_254, %get3A_255, %get3A_256, %get3A_257] : memref<1x2x2x57x57x64xf32, #tpu.memory_space<vmem>>, vector<1x1x1x14x56x64xf32>
    %get3A_259 = vector.shape_cast %get3A_258 : vector<1x1x1x14x56x64xf32> to vector<14x56x64xf32>
    %reshape3A_260 = vector.shape_cast %get3A_259 : vector<14x56x64xf32> to vector<784x64xf32>
    %get3A_261 = arith.constant 12 : index
    %get3A_262 = arith.constant 0 : index
    %get3A_263 = arith.constant 0 : index
    %get3A_264 = vector.load %arg3[%get3A_261, %get3A_262, %get3A_263] : memref<16x64x32xf32, #tpu.memory_space<vmem>>, vector<1x64x32xf32>
    %get3A_265 = vector.shape_cast %get3A_264 : vector<1x64x32xf32> to vector<64x32xf32>
    %dot_general3A_266 = arith.constant dense<0.000000e+00> : vector<784x32xf32>
    %dot_general3A_267 = tpu.matmul %reshape3A_260, %get3A_265, %dot_general3A_266 {dimension_numbers = #tpu.dot_dimension_numbers<[1], [0], [0], [1], [0, 0, 1, 1], [], []>, transpose_lhs_hint = false} : vector<784x64xf32>, vector<64x32xf32>, vector<784x32xf32> -> vector<784x32xf32>
    %add3A_268 = arith.addf %add3A_247, %dot_general3A_267 : vector<784x32xf32>
    %mul3A_269 = arith.constant 14 : i32
    %mul3A_270 = arith.muli %mul3A_269, %arg1 : i32
    %add3A_271 = arith.constant 1 : i32
    %add3A_272 = arith.addi %mul3A_270, %add3A_271 : i32
    %get3A_273 = arith.constant 0 : index
    %get3A_274 = arith.constant 1 : index
    %get3A_275 = arith.constant 1 : index
    %get3A_276 = arith.index_cast %add3A_272 : i32 to index
    %get3A_277 = arith.constant 0 : index
    %get3A_278 = arith.constant 0 : index
    %get3A_279 = vector.load %arg2[%get3A_273, %get3A_274, %get3A_275, %get3A_276, %get3A_277, %get3A_278] : memref<1x2x2x57x57x64xf32, #tpu.memory_space<vmem>>, vector<1x1x1x14x56x64xf32>
    %get3A_280 = vector.shape_cast %get3A_279 : vector<1x1x1x14x56x64xf32> to vector<14x56x64xf32>
    %reshape3A_281 = vector.shape_cast %get3A_280 : vector<14x56x64xf32> to vector<784x64xf32>
    %get3A_282 = arith.constant 13 : index
    %get3A_283 = arith.constant 0 : index
    %get3A_284 = arith.constant 0 : index
    %get3A_285 = vector.load %arg3[%get3A_282, %get3A_283, %get3A_284] : memref<16x64x32xf32, #tpu.memory_space<vmem>>, vector<1x64x32xf32>
    %get3A_286 = vector.shape_cast %get3A_285 : vector<1x64x32xf32> to vector<64x32xf32>
    %dot_general3A_287 = arith.constant dense<0.000000e+00> : vector<784x32xf32>
    %dot_general3A_288 = tpu.matmul %reshape3A_281, %get3A_286, %dot_general3A_287 {dimension_numbers = #tpu.dot_dimension_numbers<[1], [0], [0], [1], [0, 0, 1, 1], [], []>, transpose_lhs_hint = false} : vector<784x64xf32>, vector<64x32xf32>, vector<784x32xf32> -> vector<784x32xf32>
    %add3A_289 = arith.addf %add3A_268, %dot_general3A_288 : vector<784x32xf32>
    %mul3A_290 = arith.constant 14 : i32
    %mul3A_291 = arith.muli %mul3A_290, %arg1 : i32
    %add3A_292 = arith.constant 1 : i32
    %add3A_293 = arith.addi %mul3A_291, %add3A_292 : i32
    %get3A_294 = arith.constant 0 : index
    %get3A_295 = arith.constant 1 : index
    %get3A_296 = arith.constant 0 : index
    %get3A_297 = arith.index_cast %add3A_293 : i32 to index
    %get3A_298 = arith.constant 1 : index
    %get3A_299 = arith.constant 0 : index
    %get3A_300 = vector.load %arg2[%get3A_294, %get3A_295, %get3A_296, %get3A_297, %get3A_298, %get3A_299] : memref<1x2x2x57x57x64xf32, #tpu.memory_space<vmem>>, vector<1x1x1x14x56x64xf32>
    %get3A_301 = vector.shape_cast %get3A_300 : vector<1x1x1x14x56x64xf32> to vector<14x56x64xf32>
    %reshape3A_302 = vector.shape_cast %get3A_301 : vector<14x56x64xf32> to vector<784x64xf32>
    %get3A_303 = arith.constant 14 : index
    %get3A_304 = arith.constant 0 : index
    %get3A_305 = arith.constant 0 : index
    %get3A_306 = vector.load %arg3[%get3A_303, %get3A_304, %get3A_305] : memref<16x64x32xf32, #tpu.memory_space<vmem>>, vector<1x64x32xf32>
    %get3A_307 = vector.shape_cast %get3A_306 : vector<1x64x32xf32> to vector<64x32xf32>
    %dot_general3A_308 = arith.constant dense<0.000000e+00> : vector<784x32xf32>
    %dot_general3A_309 = tpu.matmul %reshape3A_302, %get3A_307, %dot_general3A_308 {dimension_numbers = #tpu.dot_dimension_numbers<[1], [0], [0], [1], [0, 0, 1, 1], [], []>, transpose_lhs_hint = false} : vector<784x64xf32>, vector<64x32xf32>, vector<784x32xf32> -> vector<784x32xf32>
    %add3A_310 = arith.addf %add3A_289, %dot_general3A_309 : vector<784x32xf32>
    %mul3A_311 = arith.constant 14 : i32
    %mul3A_312 = arith.muli %mul3A_311, %arg1 : i32
    %add3A_313 = arith.constant 1 : i32
    %add3A_314 = arith.addi %mul3A_312, %add3A_313 : i32
    %get3A_315 = arith.constant 0 : index
    %get3A_316 = arith.constant 1 : index
    %get3A_317 = arith.constant 1 : index
    %get3A_318 = arith.index_cast %add3A_314 : i32 to index
    %get3A_319 = arith.constant 1 : index
    %get3A_320 = arith.constant 0 : index
    %get3A_321 = vector.load %arg2[%get3A_315, %get3A_316, %get3A_317, %get3A_318, %get3A_319, %get3A_320] : memref<1x2x2x57x57x64xf32, #tpu.memory_space<vmem>>, vector<1x1x1x14x56x64xf32>
    %get3A_322 = vector.shape_cast %get3A_321 : vector<1x1x1x14x56x64xf32> to vector<14x56x64xf32>
    %reshape3A_323 = vector.shape_cast %get3A_322 : vector<14x56x64xf32> to vector<784x64xf32>
    %get3A_324 = arith.constant 15 : index
    %get3A_325 = arith.constant 0 : index
    %get3A_326 = arith.constant 0 : index
    %get3A_327 = vector.load %arg3[%get3A_324, %get3A_325, %get3A_326] : memref<16x64x32xf32, #tpu.memory_space<vmem>>, vector<1x64x32xf32>
    %get3A_328 = vector.shape_cast %get3A_327 : vector<1x64x32xf32> to vector<64x32xf32>
    %dot_general3A_329 = arith.constant dense<0.000000e+00> : vector<784x32xf32>
    %dot_general3A_330 = tpu.matmul %reshape3A_323, %get3A_328, %dot_general3A_329 {dimension_numbers = #tpu.dot_dimension_numbers<[1], [0], [0], [1], [0, 0, 1, 1], [], []>, transpose_lhs_hint = false} : vector<784x64xf32>, vector<64x32xf32>, vector<784x32xf32> -> vector<784x32xf32>
    %add3A_331 = arith.addf %add3A_310, %dot_general3A_330 : vector<784x32xf32>
    %get3A_332 = arith.constant 0 : index
    %get3A_333 = arith.constant 0 : index
    %get3A_334 = vector.load %arg4[%get3A_332, %get3A_333] : memref<1x32xf32, #tpu.memory_space<vmem>>, vector<1x32xf32>
    %add3A_335 = vector.broadcast %get3A_334 : vector<1x32xf32> to vector<784x32xf32>
    %add3A_336 = arith.addf %add3A_331, %add3A_335 : vector<784x32xf32>
    %swap3A = arith.constant 0 : index
    %swap3A_337 = arith.constant 0 : index
    %swap3A_338 = arith.constant 0 : index
    %swap3A_339 = vector.load %arg5[%swap3A, %swap3A_337, %swap3A_338] : memref<1x784x32xf32, #tpu.memory_space<vmem>>, vector<1x784x32xf32>
    %swap3A_340 = vector.shape_cast %swap3A_339 : vector<1x784x32xf32> to vector<784x32xf32>
    %swap3A_341 = vector.shape_cast %add3A_336 : vector<784x32xf32> to vector<1x784x32xf32>
    tpu.vector_store %arg5[%swap3A, %swap3A_337, %swap3A_338], %swap3A_341 {strides = array<i32>} : memref<1x784x32xf32, #tpu.memory_space<vmem>>, vector<1x784x32xf32>,
    return
  }
  func.func @transform_0(%arg0: i32, %arg1: i32) -> (i32, i32, i32, i32, i32, i32) {
    %c0_i32 = arith.constant 0 : i32
    %c0_i32_0 = arith.constant 0 : i32
    %c0_i32_1 = arith.constant 0 : i32
    %c0_i32_2 = arith.constant 0 : i32
    %c0_i32_3 = arith.constant 0 : i32
    %c0_i32_4 = arith.constant 0 : i32
    return %arg0, %c0_i32, %c0_i32_0, %c0_i32_1, %c0_i32_2, %c0_i32_3 : i32, i32, i32, i32, i32, i32
  }
  func.func @transform_1(%arg0: i32, %arg1: i32) -> (i32, i32, i32) {
    %c0_i32 = arith.constant 0 : i32
    %c0_i32_0 = arith.constant 0 : i32
    %c0_i32_1 = arith.constant 0 : i32
    %c0_i32_2 = arith.constant 0 : i32
    return %c0_i32, %c0_i32_0, %c0_i32_1 : i32, i32, i32
  }
  func.func @transform_2(%arg0: i32, %arg1: i32) -> (i32, i32) {
    %c0_i32 = arith.constant 0 : i32
    %c0_i32_0 = arith.constant 0 : i32
    %c0_i32_1 = arith.constant 0 : i32
    return %c0_i32, %c0_i32_0 : i32, i32
  }
  func.func @transform_3(%arg0: i32, %arg1: i32) -> (i32, i32, i32) {
    %c0_i32 = arith.constant 0 : i32
    %c0_i32_0 = arith.constant 0 : i32
    return %arg0, %arg1, %c0_i32 : i32, i32, i32
  }
}

module attributes {stable_mosaic.version = 14 : i64} {
  func.func @_vq_body(%arg0: i32, %arg1: memref<256x32xf32, #tpu.memory_space<vmem>>, %arg2: memref<1024x32xf32, #tpu.memory_space<vmem>>, %arg3: memref<256x32xf32, #tpu.memory_space<vmem>>, %arg4: memref<1x1x256xi32, #tpu.memory_space<vmem>>, %arg5: memref<1x1xf32, #tpu.memory_space<smem>>) attributes {dimension_semantics = [#tpu.dimension_semantics<arbitrary>], iteration_bounds = array<i64: 196>, scalar_prefetch = 0 : i64, scratch_operands = 0 : i64, tpu.core_type = #tpu.core_type<tc>, window_params = [{transform_indices = @transform_0, window_bounds = array<i64: 256, 32>}, {pipeline_mode = #tpu.pipeline_mode<synchronous>, transform_indices = @transform_1, window_bounds = array<i64: 1024, 32>}, {transform_indices = @transform_2, window_bounds = array<i64: 256, 32>}, {transform_indices = @transform_3, window_bounds = array<i64: 1, 1, 256>}, {transform_indices = @transform_4, window_bounds = array<i64: 1, 1>}]} {
    %get3A = arith.constant 0 : index
    %get3A_0 = arith.constant 0 : index
    %get3A_1 = vector.load %arg1[%get3A, %get3A_0] : memref<256x32xf32, #tpu.memory_space<vmem>>, vector<256x32xf32>
    %get3A_2 = arith.constant 0 : index
    %get3A_3 = arith.constant 0 : index
    %get3A_4 = vector.load %arg2[%get3A_2, %get3A_3] : memref<1024x32xf32, #tpu.memory_space<vmem>>, vector<1024x32xf32>
    %mul3A = arith.mulf %get3A_1, %get3A_1 : vector<256x32xf32>
    %reduce_sum3A = arith.constant dense<0.000000e+00> : vector<256xf32>
    %reduce_sum3A_5 = vector.multi_reduction <add>, %mul3A, %reduce_sum3A [1] : vector<256x32xf32> to vector<256xf32>
    %broadcast_in_dim3A = vector.shape_cast %reduce_sum3A_5 : vector<256xf32> to vector<256x1xf32>
    %mul3A_6 = arith.mulf %get3A_4, %get3A_4 : vector<1024x32xf32>
    %reduce_sum3A_7 = arith.constant dense<0.000000e+00> : vector<1024xf32>
    %reduce_sum3A_8 = vector.multi_reduction <add>, %mul3A_6, %reduce_sum3A_7 [1] : vector<1024x32xf32> to vector<1024xf32>
    %dot_general3A = arith.constant dense<0.000000e+00> : vector<256x1024xf32>
    %dot_general3A_9 = tpu.matmul %get3A_1, %get3A_4, %dot_general3A {dimension_numbers = #tpu.dot_dimension_numbers<[1], [1], [0], [0], [0, 0, 1, 0], [], []>, transpose_lhs_hint = false} : vector<256x32xf32>, vector<1024x32xf32>, vector<256x1024xf32> -> vector<256x1024xf32>
    %broadcast_in_dim3A_10 = vector.shape_cast %reduce_sum3A_8 : vector<1024xf32> to vector<1x1024xf32>
    %add3A = vector.broadcast %broadcast_in_dim3A : vector<256x1xf32> to vector<256x1024xf32>
    %add3A_11 = vector.broadcast %broadcast_in_dim3A_10 : vector<1x1024xf32> to vector<256x1024xf32>
    %add3A_12 = arith.addf %add3A, %add3A_11 : vector<256x1024xf32>
    %mul3A_13 = arith.constant 2.000000e+00 : f32
    %mul3A_14 = vector.broadcast %mul3A_13 : f32 to vector<256x1024xf32>
    %mul3A_15 = arith.mulf %mul3A_14, %dot_general3A_9 : vector<256x1024xf32>
    %sub3A = arith.subf %add3A_12, %mul3A_15 : vector<256x1024xf32>
    %reduce_min3A = arith.constant dense<0x7F800000> : vector<256xf32>
    %reduce_min3A_16 = vector.multi_reduction <minimumf>, %sub3A, %reduce_min3A [1] : vector<256x1024xf32> to vector<256xf32>
    %broadcast_in_dim3A_17 = vector.shape_cast %reduce_min3A_16 : vector<256xf32> to vector<256x1xf32>
    %iota3A = tpu.iota {dimensions = array<i32: 1>} : vector<256x1024xi32>
    %eq3A = vector.broadcast %broadcast_in_dim3A_17 : vector<256x1xf32> to vector<256x1024xf32>
    %eq3A_18 = arith.cmpf oeq, %sub3A, %eq3A : vector<256x1024xf32>
    %jit3A = arith.constant 1024 : i32
    %broadcast_in_dim3A_19 = vector.broadcast %jit3A : i32 to vector<256x1024xi32>
    %select_n3A = arith.select %eq3A_18, %iota3A, %broadcast_in_dim3A_19 : vector<256x1024xi1>, vector<256x1024xi32>
    %reduce_min3A_20 = arith.constant dense<2147483647> : vector<256xi32>
    %reduce_min3A_21 = vector.multi_reduction <minsi>, %select_n3A, %reduce_min3A_20 [1] : vector<256x1024xi32> to vector<256xi32>
    %broadcast_in_dim3A_22 = vector.shape_cast %reduce_min3A_21 : vector<256xi32> to vector<256x1xi32>
    %eq3A_23 = vector.broadcast %broadcast_in_dim3A_22 : vector<256x1xi32> to vector<256x1024xi32>
    %eq3A_24 = arith.cmpi eq, %iota3A, %eq3A_23 : vector<256x1024xi32>
    %convert_element_type3A = arith.extui %eq3A_24 : vector<256x1024xi1> to vector<256x1024xi32>
    %convert_element_type3A_25 = arith.sitofp %convert_element_type3A : vector<256x1024xi32> to vector<256x1024xf32>
    %dot_general3A_26 = arith.constant dense<0.000000e+00> : vector<256x32xf32>
    %dot_general3A_27 = tpu.matmul %convert_element_type3A_25, %get3A_4, %dot_general3A_26 {dimension_numbers = #tpu.dot_dimension_numbers<[1], [0], [0], [1], [0, 0, 1, 1], [], []>, transpose_lhs_hint = false} : vector<256x1024xf32>, vector<1024x32xf32>, vector<256x32xf32> -> vector<256x32xf32>
    %swap3A = arith.constant 0 : index
    %swap3A_28 = arith.constant 0 : index
    %swap3A_29 = vector.load %arg3[%swap3A, %swap3A_28] : memref<256x32xf32, #tpu.memory_space<vmem>>, vector<256x32xf32>
    tpu.vector_store %arg3[%swap3A, %swap3A_28], %dot_general3A_27 {strides = array<i32>} : memref<256x32xf32, #tpu.memory_space<vmem>>, vector<256x32xf32>,
    %swap3A_30 = arith.constant 0 : index
    %swap3A_31 = arith.constant 0 : index
    %swap3A_32 = arith.constant 0 : index
    %swap3A_33 = vector.load %arg4[%swap3A_30, %swap3A_31, %swap3A_32] : memref<1x1x256xi32, #tpu.memory_space<vmem>>, vector<1x1x256xi32>
    %swap3A_34 = vector.shape_cast %swap3A_33 : vector<1x1x256xi32> to vector<256xi32>
    %swap3A_35 = vector.shape_cast %reduce_min3A_21 : vector<256xi32> to vector<1x1x256xi32>
    tpu.vector_store %arg4[%swap3A_30, %swap3A_31, %swap3A_32], %swap3A_35 {strides = array<i32>} : memref<1x1x256xi32, #tpu.memory_space<vmem>>, vector<1x1x256xi32>,
    %sub3A_36 = arith.subf %dot_general3A_27, %get3A_1 : vector<256x32xf32>
    %mul3A_37 = arith.mulf %sub3A_36, %sub3A_36 : vector<256x32xf32>
    %reduce_sum3A_38 = vector.shape_cast %mul3A_37 : vector<256x32xf32> to vector<1x256x32xf32>
    %reduce_sum3A_39 = arith.constant dense<0.000000e+00> : vector<1xf32>
    %reduce_sum3A_40 = vector.multi_reduction <add>, %reduce_sum3A_38, %reduce_sum3A_39 [1, 2] : vector<1x256x32xf32> to vector<1xf32>
    %reduce_sum3A_41 = vector.shape_cast %reduce_sum3A_40 : vector<1xf32> to vector<1x1x1xf32>
    %reduce_sum3A_42 = vector.extract %reduce_sum3A_41[0, 0, 0] : f32 from vector<1x1x1xf32>
    %eq3A_43 = arith.constant 0 : i32
    %eq3A_44 = arith.cmpi eq, %arg0, %eq3A_43 : i32
    %convert_element_type3A_45 = arith.extui %eq3A_44 : i1 to i32
    %cond3A = arith.constant 0 : i32
    %cond3A_46 = arith.cmpi ne, %convert_element_type3A_45, %cond3A : i32
    scf.if %cond3A_46 {
      %swap3A_51 = arith.constant 0 : index
      %swap3A_52 = arith.constant 0 : index
      %swap3A_53 = memref.load %arg5[%swap3A_51, %swap3A_52] : memref<1x1xf32, #tpu.memory_space<smem>>
      memref.store %reduce_sum3A_42, %arg5[%swap3A_51, %swap3A_52] : memref<1x1xf32, #tpu.memory_space<smem>>
    } else {
    }
    %ne3A = arith.constant 0 : i32
    %ne3A_47 = arith.cmpi ne, %arg0, %ne3A : i32
    %convert_element_type3A_48 = arith.extui %ne3A_47 : i1 to i32
    %cond3A_49 = arith.constant 0 : i32
    %cond3A_50 = arith.cmpi ne, %convert_element_type3A_48, %cond3A_49 : i32
    scf.if %cond3A_50 {
      %get3A_51 = arith.constant 0 : index
      %get3A_52 = arith.constant 0 : index
      %get3A_53 = memref.load %arg5[%get3A_51, %get3A_52] : memref<1x1xf32, #tpu.memory_space<smem>>
      %add3A_54 = arith.addf %get3A_53, %reduce_sum3A_42 : f32
      %swap3A_55 = arith.constant 0 : index
      %swap3A_56 = arith.constant 0 : index
      %swap3A_57 = memref.load %arg5[%swap3A_55, %swap3A_56] : memref<1x1xf32, #tpu.memory_space<smem>>
      memref.store %add3A_54, %arg5[%swap3A_55, %swap3A_56] : memref<1x1xf32, #tpu.memory_space<smem>>
    } else {
    }
    return
  }
  func.func @transform_0(%arg0: i32) -> (i32, i32) {
    %c0_i32 = arith.constant 0 : i32
    %c0_i32_0 = arith.constant 0 : i32
    return %arg0, %c0_i32 : i32, i32
  }
  func.func @transform_1(%arg0: i32) -> (i32, i32) {
    %c0_i32 = arith.constant 0 : i32
    %c0_i32_0 = arith.constant 0 : i32
    %c0_i32_1 = arith.constant 0 : i32
    return %c0_i32, %c0_i32_0 : i32, i32
  }
  func.func @transform_2(%arg0: i32) -> (i32, i32) {
    %c0_i32 = arith.constant 0 : i32
    %c0_i32_0 = arith.constant 0 : i32
    return %arg0, %c0_i32 : i32, i32
  }
  func.func @transform_3(%arg0: i32) -> (i32, i32, i32) {
    %c0_i32 = arith.constant 0 : i32
    %c0_i32_0 = arith.constant 0 : i32
    %c0_i32_1 = arith.constant 0 : i32
    return %arg0, %c0_i32, %c0_i32_0 : i32, i32, i32
  }
  func.func @transform_4(%arg0: i32) -> (i32, i32) {
    %c0_i32 = arith.constant 0 : i32
    %c0_i32_0 = arith.constant 0 : i32
    %c0_i32_1 = arith.constant 0 : i32
    return %c0_i32, %c0_i32_0 : i32, i32
  }
}

module attributes {stable_mosaic.version = 14 : i64} {
  func.func @_dec1_body(%arg0: i32, %arg1: i32, %arg2: i32, %arg3: i32, %arg4: memref<1x58x58x32xf32, #tpu.memory_space<vmem>>, %arg5: memref<4x4x32x64xf32, #tpu.memory_space<vmem>>, %arg6: memref<1x64xf32, #tpu.memory_space<vmem>>, %arg7: memref<1x1x1x784x64xf32, #tpu.memory_space<vmem>>) attributes {dimension_semantics = [#tpu.dimension_semantics<arbitrary>, #tpu.dimension_semantics<arbitrary>, #tpu.dimension_semantics<arbitrary>, #tpu.dimension_semantics<arbitrary>], iteration_bounds = array<i64: 16, 2, 2, 4>, scalar_prefetch = 0 : i64, scratch_operands = 0 : i64, tpu.core_type = #tpu.core_type<tc>, window_params = [{transform_indices = @transform_0, window_bounds = array<i64: 1, 58, 58, 32>}, {pipeline_mode = #tpu.pipeline_mode<synchronous>, transform_indices = @transform_1, window_bounds = array<i64: 4, 4, 32, 64>}, {pipeline_mode = #tpu.pipeline_mode<synchronous>, transform_indices = @transform_2, window_bounds = array<i64: 1, 64>}, {transform_indices = @transform_3, window_bounds = array<i64: 1, 1, 1, 784, 64>}]} {
    %broadcast_in_dim3A = arith.constant 0.000000e+00 : f32
    %broadcast_in_dim3A_0 = vector.broadcast %broadcast_in_dim3A : f32 to vector<784x64xf32>
    %add3A = arith.constant 0 : i32
    %add3A_1 = arith.addi %arg1, %add3A : i32
    %add3A_2 = arith.constant 1 : i32
    %add3A_3 = arith.addi %add3A_1, %add3A_2 : i32
    %jit3A = arith.constant 2 : i32
    %div3A = arith.divsi %add3A_3, %jit3A : i32
    %sign3A = arith.constant 0 : i32
    %sign3A_4 = arith.cmpi sgt, %add3A_3, %sign3A : i32
    %sign3A_5 = arith.extui %sign3A_4 : i1 to i32
    %sign3A_6 = arith.constant 0 : i32
    %sign3A_7 = arith.cmpi slt, %add3A_3, %sign3A_6 : i32
    %sign3A_8 = arith.extui %sign3A_7 : i1 to i32
    %sign3A_9 = arith.subi %sign3A_5, %sign3A_8 : i32
    %sign3A_10 = arith.constant 0 : i32
    %sign3A_11 = arith.cmpi sgt, %jit3A, %sign3A_10 : i32
    %sign3A_12 = arith.extui %sign3A_11 : i1 to i32
    %sign3A_13 = arith.constant 0 : i32
    %sign3A_14 = arith.cmpi slt, %jit3A, %sign3A_13 : i32
    %sign3A_15 = arith.extui %sign3A_14 : i1 to i32
    %sign3A_16 = arith.subi %sign3A_12, %sign3A_15 : i32
    %ne3A = arith.cmpi ne, %sign3A_9, %sign3A_16 : i32
    %rem3A = arith.remsi %add3A_3, %jit3A : i32
    %ne3A_17 = arith.constant 0 : i32
    %ne3A_18 = arith.cmpi ne, %rem3A, %ne3A_17 : i32
    %and3A = arith.andi %ne3A, %ne3A_18 : i1
    %sub3A = arith.constant 1 : i32
    %sub3A_19 = arith.subi %div3A, %sub3A : i32
    %select_n3A = arith.select %and3A, %sub3A_19, %div3A : i32
    %add3A_20 = arith.constant 0 : i32
    %add3A_21 = arith.addi %arg2, %add3A_20 : i32
    %add3A_22 = arith.constant 1 : i32
    %add3A_23 = arith.addi %add3A_21, %add3A_22 : i32
    %jit3A_24 = arith.constant 2 : i32
    %div3A_25 = arith.divsi %add3A_23, %jit3A_24 : i32
    %sign3A_26 = arith.constant 0 : i32
    %sign3A_27 = arith.cmpi sgt, %add3A_23, %sign3A_26 : i32
    %sign3A_28 = arith.extui %sign3A_27 : i1 to i32
    %sign3A_29 = arith.constant 0 : i32
    %sign3A_30 = arith.cmpi slt, %add3A_23, %sign3A_29 : i32
    %sign3A_31 = arith.extui %sign3A_30 : i1 to i32
    %sign3A_32 = arith.subi %sign3A_28, %sign3A_31 : i32
    %sign3A_33 = arith.constant 0 : i32
    %sign3A_34 = arith.cmpi sgt, %jit3A_24, %sign3A_33 : i32
    %sign3A_35 = arith.extui %sign3A_34 : i1 to i32
    %sign3A_36 = arith.constant 0 : i32
    %sign3A_37 = arith.cmpi slt, %jit3A_24, %sign3A_36 : i32
    %sign3A_38 = arith.extui %sign3A_37 : i1 to i32
    %sign3A_39 = arith.subi %sign3A_35, %sign3A_38 : i32
    %ne3A_40 = arith.cmpi ne, %sign3A_32, %sign3A_39 : i32
    %rem3A_41 = arith.remsi %add3A_23, %jit3A_24 : i32
    %ne3A_42 = arith.constant 0 : i32
    %ne3A_43 = arith.cmpi ne, %rem3A_41, %ne3A_42 : i32
    %and3A_44 = arith.andi %ne3A_40, %ne3A_43 : i1
    %sub3A_45 = arith.constant 1 : i32
    %sub3A_46 = arith.subi %div3A_25, %sub3A_45 : i32
    %select_n3A_47 = arith.select %and3A_44, %sub3A_46, %div3A_25 : i32
    %mul3A = arith.constant 14 : i32
    %mul3A_48 = arith.muli %mul3A, %arg3 : i32
    %add3A_49 = arith.addi %mul3A_48, %select_n3A : i32
    %get3A = arith.constant 0 : index
    %get3A_50 = arith.index_cast %add3A_49 : i32 to index
    %get3A_51 = arith.index_cast %select_n3A_47 : i32 to index
    %get3A_52 = arith.constant 0 : index
    %get3A_53 = vector.load %arg4[%get3A, %get3A_50, %get3A_51, %get3A_52] : memref<1x58x58x32xf32, #tpu.memory_space<vmem>>, vector<1x14x56x32xf32>
    %get3A_54 = vector.shape_cast %get3A_53 : vector<1x14x56x32xf32> to vector<14x56x32xf32>
    %add3A_55 = arith.constant 0 : i32
    %add3A_56 = arith.addi %arg1, %add3A_55 : i32
    %add3A_57 = arith.constant 0 : i32
    %add3A_58 = arith.addi %arg2, %add3A_57 : i32
    %get3A_59 = arith.index_cast %add3A_56 : i32 to index
    %get3A_60 = arith.index_cast %add3A_58 : i32 to index
    %get3A_61 = arith.constant 0 : index
    %get3A_62 = arith.constant 0 : index
    %get3A_63 = vector.load %arg5[%get3A_59, %get3A_60, %get3A_61, %get3A_62] : memref<4x4x32x64xf32, #tpu.memory_space<vmem>>, vector<1x1x32x64xf32>
    %get3A_64 = vector.shape_cast %get3A_63 : vector<1x1x32x64xf32> to vector<32x64xf32>
    %reshape3A = vector.shape_cast %get3A_54 : vector<14x56x32xf32> to vector<784x32xf32>
    %dot_general3A = arith.constant dense<0.000000e+00> : vector<784x64xf32>
    %dot_general3A_65 = tpu.matmul %reshape3A, %get3A_64, %dot_general3A {dimension_numbers = #tpu.dot_dimension_numbers<[1], [0], [0], [1], [0, 0, 1, 1], [], []>, transpose_lhs_hint = false} : vector<784x32xf32>, vector<32x64xf32>, vector<784x64xf32> -> vector<784x64xf32>
    %add3A_66 = arith.addf %broadcast_in_dim3A_0, %dot_general3A_65 : vector<784x64xf32>
    %add3A_67 = arith.constant 0 : i32
    %add3A_68 = arith.addi %arg1, %add3A_67 : i32
    %add3A_69 = arith.constant 1 : i32
    %add3A_70 = arith.addi %add3A_68, %add3A_69 : i32
    %jit3A_71 = arith.constant 2 : i32
    %div3A_72 = arith.divsi %add3A_70, %jit3A_71 : i32
    %sign3A_73 = arith.constant 0 : i32
    %sign3A_74 = arith.cmpi sgt, %add3A_70, %sign3A_73 : i32
    %sign3A_75 = arith.extui %sign3A_74 : i1 to i32
    %sign3A_76 = arith.constant 0 : i32
    %sign3A_77 = arith.cmpi slt, %add3A_70, %sign3A_76 : i32
    %sign3A_78 = arith.extui %sign3A_77 : i1 to i32
    %sign3A_79 = arith.subi %sign3A_75, %sign3A_78 : i32
    %sign3A_80 = arith.constant 0 : i32
    %sign3A_81 = arith.cmpi sgt, %jit3A_71, %sign3A_80 : i32
    %sign3A_82 = arith.extui %sign3A_81 : i1 to i32
    %sign3A_83 = arith.constant 0 : i32
    %sign3A_84 = arith.cmpi slt, %jit3A_71, %sign3A_83 : i32
    %sign3A_85 = arith.extui %sign3A_84 : i1 to i32
    %sign3A_86 = arith.subi %sign3A_82, %sign3A_85 : i32
    %ne3A_87 = arith.cmpi ne, %sign3A_79, %sign3A_86 : i32
    %rem3A_88 = arith.remsi %add3A_70, %jit3A_71 : i32
    %ne3A_89 = arith.constant 0 : i32
    %ne3A_90 = arith.cmpi ne, %rem3A_88, %ne3A_89 : i32
    %and3A_91 = arith.andi %ne3A_87, %ne3A_90 : i1
    %sub3A_92 = arith.constant 1 : i32
    %sub3A_93 = arith.subi %div3A_72, %sub3A_92 : i32
    %select_n3A_94 = arith.select %and3A_91, %sub3A_93, %div3A_72 : i32
    %add3A_95 = arith.constant 2 : i32
    %add3A_96 = arith.addi %arg2, %add3A_95 : i32
    %add3A_97 = arith.constant 1 : i32
    %add3A_98 = arith.addi %add3A_96, %add3A_97 : i32
    %jit3A_99 = arith.constant 2 : i32
    %div3A_100 = arith.divsi %add3A_98, %jit3A_99 : i32
    %sign3A_101 = arith.constant 0 : i32
    %sign3A_102 = arith.cmpi sgt, %add3A_98, %sign3A_101 : i32
    %sign3A_103 = arith.extui %sign3A_102 : i1 to i32
    %sign3A_104 = arith.constant 0 : i32
    %sign3A_105 = arith.cmpi slt, %add3A_98, %sign3A_104 : i32
    %sign3A_106 = arith.extui %sign3A_105 : i1 to i32
    %sign3A_107 = arith.subi %sign3A_103, %sign3A_106 : i32
    %sign3A_108 = arith.constant 0 : i32
    %sign3A_109 = arith.cmpi sgt, %jit3A_99, %sign3A_108 : i32
    %sign3A_110 = arith.extui %sign3A_109 : i1 to i32
    %sign3A_111 = arith.constant 0 : i32
    %sign3A_112 = arith.cmpi slt, %jit3A_99, %sign3A_111 : i32
    %sign3A_113 = arith.extui %sign3A_112 : i1 to i32
    %sign3A_114 = arith.subi %sign3A_110, %sign3A_113 : i32
    %ne3A_115 = arith.cmpi ne, %sign3A_107, %sign3A_114 : i32
    %rem3A_116 = arith.remsi %add3A_98, %jit3A_99 : i32
    %ne3A_117 = arith.constant 0 : i32
    %ne3A_118 = arith.cmpi ne, %rem3A_116, %ne3A_117 : i32
    %and3A_119 = arith.andi %ne3A_115, %ne3A_118 : i1
    %sub3A_120 = arith.constant 1 : i32
    %sub3A_121 = arith.subi %div3A_100, %sub3A_120 : i32
    %select_n3A_122 = arith.select %and3A_119, %sub3A_121, %div3A_100 : i32
    %mul3A_123 = arith.constant 14 : i32
    %mul3A_124 = arith.muli %mul3A_123, %arg3 : i32
    %add3A_125 = arith.addi %mul3A_124, %select_n3A_94 : i32
    %get3A_126 = arith.constant 0 : index
    %get3A_127 = arith.index_cast %add3A_125 : i32 to index
    %get3A_128 = arith.index_cast %select_n3A_122 : i32 to index
    %get3A_129 = arith.constant 0 : index
    %get3A_130 = vector.load %arg4[%get3A_126, %get3A_127, %get3A_128, %get3A_129] : memref<1x58x58x32xf32, #tpu.memory_space<vmem>>, vector<1x14x56x32xf32>
    %get3A_131 = vector.shape_cast %get3A_130 : vector<1x14x56x32xf32> to vector<14x56x32xf32>
    %add3A_132 = arith.constant 0 : i32
    %add3A_133 = arith.addi %arg1, %add3A_132 : i32
    %add3A_134 = arith.constant 2 : i32
    %add3A_135 = arith.addi %arg2, %add3A_134 : i32
    %get3A_136 = arith.index_cast %add3A_133 : i32 to index
    %get3A_137 = arith.index_cast %add3A_135 : i32 to index
    %get3A_138 = arith.constant 0 : index
    %get3A_139 = arith.constant 0 : index
    %get3A_140 = vector.load %arg5[%get3A_136, %get3A_137, %get3A_138, %get3A_139] : memref<4x4x32x64xf32, #tpu.memory_space<vmem>>, vector<1x1x32x64xf32>
    %get3A_141 = vector.shape_cast %get3A_140 : vector<1x1x32x64xf32> to vector<32x64xf32>
    %reshape3A_142 = vector.shape_cast %get3A_131 : vector<14x56x32xf32> to vector<784x32xf32>
    %dot_general3A_143 = arith.constant dense<0.000000e+00> : vector<784x64xf32>
    %dot_general3A_144 = tpu.matmul %reshape3A_142, %get3A_141, %dot_general3A_143 {dimension_numbers = #tpu.dot_dimension_numbers<[1], [0], [0], [1], [0, 0, 1, 1], [], []>, transpose_lhs_hint = false} : vector<784x32xf32>, vector<32x64xf32>, vector<784x64xf32> -> vector<784x64xf32>
    %add3A_145 = arith.addf %add3A_66, %dot_general3A_144 : vector<784x64xf32>
    %add3A_146 = arith.constant 2 : i32
    %add3A_147 = arith.addi %arg1, %add3A_146 : i32
    %add3A_148 = arith.constant 1 : i32
    %add3A_149 = arith.addi %add3A_147, %add3A_148 : i32
    %jit3A_150 = arith.constant 2 : i32
    %div3A_151 = arith.divsi %add3A_149, %jit3A_150 : i32
    %sign3A_152 = arith.constant 0 : i32
    %sign3A_153 = arith.cmpi sgt, %add3A_149, %sign3A_152 : i32
    %sign3A_154 = arith.extui %sign3A_153 : i1 to i32
    %sign3A_155 = arith.constant 0 : i32
    %sign3A_156 = arith.cmpi slt, %add3A_149, %sign3A_155 : i32
    %sign3A_157 = arith.extui %sign3A_156 : i1 to i32
    %sign3A_158 = arith.subi %sign3A_154, %sign3A_157 : i32
    %sign3A_159 = arith.constant 0 : i32
    %sign3A_160 = arith.cmpi sgt, %jit3A_150, %sign3A_159 : i32
    %sign3A_161 = arith.extui %sign3A_160 : i1 to i32
    %sign3A_162 = arith.constant 0 : i32
    %sign3A_163 = arith.cmpi slt, %jit3A_150, %sign3A_162 : i32
    %sign3A_164 = arith.extui %sign3A_163 : i1 to i32
    %sign3A_165 = arith.subi %sign3A_161, %sign3A_164 : i32
    %ne3A_166 = arith.cmpi ne, %sign3A_158, %sign3A_165 : i32
    %rem3A_167 = arith.remsi %add3A_149, %jit3A_150 : i32
    %ne3A_168 = arith.constant 0 : i32
    %ne3A_169 = arith.cmpi ne, %rem3A_167, %ne3A_168 : i32
    %and3A_170 = arith.andi %ne3A_166, %ne3A_169 : i1
    %sub3A_171 = arith.constant 1 : i32
    %sub3A_172 = arith.subi %div3A_151, %sub3A_171 : i32
    %select_n3A_173 = arith.select %and3A_170, %sub3A_172, %div3A_151 : i32
    %add3A_174 = arith.constant 0 : i32
    %add3A_175 = arith.addi %arg2, %add3A_174 : i32
    %add3A_176 = arith.constant 1 : i32
    %add3A_177 = arith.addi %add3A_175, %add3A_176 : i32
    %jit3A_178 = arith.constant 2 : i32
    %div3A_179 = arith.divsi %add3A_177, %jit3A_178 : i32
    %sign3A_180 = arith.constant 0 : i32
    %sign3A_181 = arith.cmpi sgt, %add3A_177, %sign3A_180 : i32
    %sign3A_182 = arith.extui %sign3A_181 : i1 to i32
    %sign3A_183 = arith.constant 0 : i32
    %sign3A_184 = arith.cmpi slt, %add3A_177, %sign3A_183 : i32
    %sign3A_185 = arith.extui %sign3A_184 : i1 to i32
    %sign3A_186 = arith.subi %sign3A_182, %sign3A_185 : i32
    %sign3A_187 = arith.constant 0 : i32
    %sign3A_188 = arith.cmpi sgt, %jit3A_178, %sign3A_187 : i32
    %sign3A_189 = arith.extui %sign3A_188 : i1 to i32
    %sign3A_190 = arith.constant 0 : i32
    %sign3A_191 = arith.cmpi slt, %jit3A_178, %sign3A_190 : i32
    %sign3A_192 = arith.extui %sign3A_191 : i1 to i32
    %sign3A_193 = arith.subi %sign3A_189, %sign3A_192 : i32
    %ne3A_194 = arith.cmpi ne, %sign3A_186, %sign3A_193 : i32
    %rem3A_195 = arith.remsi %add3A_177, %jit3A_178 : i32
    %ne3A_196 = arith.constant 0 : i32
    %ne3A_197 = arith.cmpi ne, %rem3A_195, %ne3A_196 : i32
    %and3A_198 = arith.andi %ne3A_194, %ne3A_197 : i1
    %sub3A_199 = arith.constant 1 : i32
    %sub3A_200 = arith.subi %div3A_179, %sub3A_199 : i32
    %select_n3A_201 = arith.select %and3A_198, %sub3A_200, %div3A_179 : i32
    %mul3A_202 = arith.constant 14 : i32
    %mul3A_203 = arith.muli %mul3A_202, %arg3 : i32
    %add3A_204 = arith.addi %mul3A_203, %select_n3A_173 : i32
    %get3A_205 = arith.constant 0 : index
    %get3A_206 = arith.index_cast %add3A_204 : i32 to index
    %get3A_207 = arith.index_cast %select_n3A_201 : i32 to index
    %get3A_208 = arith.constant 0 : index
    %get3A_209 = vector.load %arg4[%get3A_205, %get3A_206, %get3A_207, %get3A_208] : memref<1x58x58x32xf32, #tpu.memory_space<vmem>>, vector<1x14x56x32xf32>
    %get3A_210 = vector.shape_cast %get3A_209 : vector<1x14x56x32xf32> to vector<14x56x32xf32>
    %add3A_211 = arith.constant 2 : i32
    %add3A_212 = arith.addi %arg1, %add3A_211 : i32
    %add3A_213 = arith.constant 0 : i32
    %add3A_214 = arith.addi %arg2, %add3A_213 : i32
    %get3A_215 = arith.index_cast %add3A_212 : i32 to index
    %get3A_216 = arith.index_cast %add3A_214 : i32 to index
    %get3A_217 = arith.constant 0 : index
    %get3A_218 = arith.constant 0 : index
    %get3A_219 = vector.load %arg5[%get3A_215, %get3A_216, %get3A_217, %get3A_218] : memref<4x4x32x64xf32, #tpu.memory_space<vmem>>, vector<1x1x32x64xf32>
    %get3A_220 = vector.shape_cast %get3A_219 : vector<1x1x32x64xf32> to vector<32x64xf32>
    %reshape3A_221 = vector.shape_cast %get3A_210 : vector<14x56x32xf32> to vector<784x32xf32>
    %dot_general3A_222 = arith.constant dense<0.000000e+00> : vector<784x64xf32>
    %dot_general3A_223 = tpu.matmul %reshape3A_221, %get3A_220, %dot_general3A_222 {dimension_numbers = #tpu.dot_dimension_numbers<[1], [0], [0], [1], [0, 0, 1, 1], [], []>, transpose_lhs_hint = false} : vector<784x32xf32>, vector<32x64xf32>, vector<784x64xf32> -> vector<784x64xf32>
    %add3A_224 = arith.addf %add3A_145, %dot_general3A_223 : vector<784x64xf32>
    %add3A_225 = arith.constant 2 : i32
    %add3A_226 = arith.addi %arg1, %add3A_225 : i32
    %add3A_227 = arith.constant 1 : i32
    %add3A_228 = arith.addi %add3A_226, %add3A_227 : i32
    %jit3A_229 = arith.constant 2 : i32
    %div3A_230 = arith.divsi %add3A_228, %jit3A_229 : i32
    %sign3A_231 = arith.constant 0 : i32
    %sign3A_232 = arith.cmpi sgt, %add3A_228, %sign3A_231 : i32
    %sign3A_233 = arith.extui %sign3A_232 : i1 to i32
    %sign3A_234 = arith.constant 0 : i32
    %sign3A_235 = arith.cmpi slt, %add3A_228, %sign3A_234 : i32
    %sign3A_236 = arith.extui %sign3A_235 : i1 to i32
    %sign3A_237 = arith.subi %sign3A_233, %sign3A_236 : i32
    %sign3A_238 = arith.constant 0 : i32
    %sign3A_239 = arith.cmpi sgt, %jit3A_229, %sign3A_238 : i32
    %sign3A_240 = arith.extui %sign3A_239 : i1 to i32
    %sign3A_241 = arith.constant 0 : i32
    %sign3A_242 = arith.cmpi slt, %jit3A_229, %sign3A_241 : i32
    %sign3A_243 = arith.extui %sign3A_242 : i1 to i32
    %sign3A_244 = arith.subi %sign3A_240, %sign3A_243 : i32
    %ne3A_245 = arith.cmpi ne, %sign3A_237, %sign3A_244 : i32
    %rem3A_246 = arith.remsi %add3A_228, %jit3A_229 : i32
    %ne3A_247 = arith.constant 0 : i32
    %ne3A_248 = arith.cmpi ne, %rem3A_246, %ne3A_247 : i32
    %and3A_249 = arith.andi %ne3A_245, %ne3A_248 : i1
    %sub3A_250 = arith.constant 1 : i32
    %sub3A_251 = arith.subi %div3A_230, %sub3A_250 : i32
    %select_n3A_252 = arith.select %and3A_249, %sub3A_251, %div3A_230 : i32
    %add3A_253 = arith.constant 2 : i32
    %add3A_254 = arith.addi %arg2, %add3A_253 : i32
    %add3A_255 = arith.constant 1 : i32
    %add3A_256 = arith.addi %add3A_254, %add3A_255 : i32
    %jit3A_257 = arith.constant 2 : i32
    %div3A_258 = arith.divsi %add3A_256, %jit3A_257 : i32
    %sign3A_259 = arith.constant 0 : i32
    %sign3A_260 = arith.cmpi sgt, %add3A_256, %sign3A_259 : i32
    %sign3A_261 = arith.extui %sign3A_260 : i1 to i32
    %sign3A_262 = arith.constant 0 : i32
    %sign3A_263 = arith.cmpi slt, %add3A_256, %sign3A_262 : i32
    %sign3A_264 = arith.extui %sign3A_263 : i1 to i32
    %sign3A_265 = arith.subi %sign3A_261, %sign3A_264 : i32
    %sign3A_266 = arith.constant 0 : i32
    %sign3A_267 = arith.cmpi sgt, %jit3A_257, %sign3A_266 : i32
    %sign3A_268 = arith.extui %sign3A_267 : i1 to i32
    %sign3A_269 = arith.constant 0 : i32
    %sign3A_270 = arith.cmpi slt, %jit3A_257, %sign3A_269 : i32
    %sign3A_271 = arith.extui %sign3A_270 : i1 to i32
    %sign3A_272 = arith.subi %sign3A_268, %sign3A_271 : i32
    %ne3A_273 = arith.cmpi ne, %sign3A_265, %sign3A_272 : i32
    %rem3A_274 = arith.remsi %add3A_256, %jit3A_257 : i32
    %ne3A_275 = arith.constant 0 : i32
    %ne3A_276 = arith.cmpi ne, %rem3A_274, %ne3A_275 : i32
    %and3A_277 = arith.andi %ne3A_273, %ne3A_276 : i1
    %sub3A_278 = arith.constant 1 : i32
    %sub3A_279 = arith.subi %div3A_258, %sub3A_278 : i32
    %select_n3A_280 = arith.select %and3A_277, %sub3A_279, %div3A_258 : i32
    %mul3A_281 = arith.constant 14 : i32
    %mul3A_282 = arith.muli %mul3A_281, %arg3 : i32
    %add3A_283 = arith.addi %mul3A_282, %select_n3A_252 : i32
    %get3A_284 = arith.constant 0 : index
    %get3A_285 = arith.index_cast %add3A_283 : i32 to index
    %get3A_286 = arith.index_cast %select_n3A_280 : i32 to index
    %get3A_287 = arith.constant 0 : index
    %get3A_288 = vector.load %arg4[%get3A_284, %get3A_285, %get3A_286, %get3A_287] : memref<1x58x58x32xf32, #tpu.memory_space<vmem>>, vector<1x14x56x32xf32>
    %get3A_289 = vector.shape_cast %get3A_288 : vector<1x14x56x32xf32> to vector<14x56x32xf32>
    %add3A_290 = arith.constant 2 : i32
    %add3A_291 = arith.addi %arg1, %add3A_290 : i32
    %add3A_292 = arith.constant 2 : i32
    %add3A_293 = arith.addi %arg2, %add3A_292 : i32
    %get3A_294 = arith.index_cast %add3A_291 : i32 to index
    %get3A_295 = arith.index_cast %add3A_293 : i32 to index
    %get3A_296 = arith.constant 0 : index
    %get3A_297 = arith.constant 0 : index
    %get3A_298 = vector.load %arg5[%get3A_294, %get3A_295, %get3A_296, %get3A_297] : memref<4x4x32x64xf32, #tpu.memory_space<vmem>>, vector<1x1x32x64xf32>
    %get3A_299 = vector.shape_cast %get3A_298 : vector<1x1x32x64xf32> to vector<32x64xf32>
    %reshape3A_300 = vector.shape_cast %get3A_289 : vector<14x56x32xf32> to vector<784x32xf32>
    %dot_general3A_301 = arith.constant dense<0.000000e+00> : vector<784x64xf32>
    %dot_general3A_302 = tpu.matmul %reshape3A_300, %get3A_299, %dot_general3A_301 {dimension_numbers = #tpu.dot_dimension_numbers<[1], [0], [0], [1], [0, 0, 1, 1], [], []>, transpose_lhs_hint = false} : vector<784x32xf32>, vector<32x64xf32>, vector<784x64xf32> -> vector<784x64xf32>
    %add3A_303 = arith.addf %add3A_224, %dot_general3A_302 : vector<784x64xf32>
    %get3A_304 = arith.constant 0 : index
    %get3A_305 = arith.constant 0 : index
    %get3A_306 = vector.load %arg6[%get3A_304, %get3A_305] : memref<1x64xf32, #tpu.memory_space<vmem>>, vector<1x64xf32>
    %add3A_307 = vector.broadcast %get3A_306 : vector<1x64xf32> to vector<784x64xf32>
    %add3A_308 = arith.addf %add3A_303, %add3A_307 : vector<784x64xf32>
    %max3A = arith.constant 0.000000e+00 : f32
    %max3A_309 = vector.broadcast %max3A : f32 to vector<784x64xf32>
    %max3A_310 = arith.maximumf %add3A_308, %max3A_309 : vector<784x64xf32>
    %swap3A = arith.constant 0 : index
    %swap3A_311 = arith.constant 0 : index
    %swap3A_312 = arith.constant 0 : index
    %swap3A_313 = arith.constant 0 : index
    %swap3A_314 = arith.constant 0 : index
    %swap3A_315 = vector.load %arg7[%swap3A, %swap3A_311, %swap3A_312, %swap3A_313, %swap3A_314] : memref<1x1x1x784x64xf32, #tpu.memory_space<vmem>>, vector<1x1x1x784x64xf32>
    %swap3A_316 = vector.shape_cast %swap3A_315 : vector<1x1x1x784x64xf32> to vector<784x64xf32>
    %swap3A_317 = vector.shape_cast %max3A_310 : vector<784x64xf32> to vector<1x1x1x784x64xf32>
    tpu.vector_store %arg7[%swap3A, %swap3A_311, %swap3A_312, %swap3A_313, %swap3A_314], %swap3A_317 {strides = array<i32>} : memref<1x1x1x784x64xf32, #tpu.memory_space<vmem>>, vector<1x1x1x784x64xf32>,
    return
  }
  func.func @transform_0(%arg0: i32, %arg1: i32, %arg2: i32, %arg3: i32) -> (i32, i32, i32, i32) {
    %c0_i32 = arith.constant 0 : i32
    %c0_i32_0 = arith.constant 0 : i32
    %c0_i32_1 = arith.constant 0 : i32
    %c0_i32_2 = arith.constant 0 : i32
    return %arg0, %c0_i32, %c0_i32_0, %c0_i32_1 : i32, i32, i32, i32
  }
  func.func @transform_1(%arg0: i32, %arg1: i32, %arg2: i32, %arg3: i32) -> (i32, i32, i32, i32) {
    %c0_i32 = arith.constant 0 : i32
    %c0_i32_0 = arith.constant 0 : i32
    %c0_i32_1 = arith.constant 0 : i32
    %c0_i32_2 = arith.constant 0 : i32
    %c0_i32_3 = arith.constant 0 : i32
    return %c0_i32, %c0_i32_0, %c0_i32_1, %c0_i32_2 : i32, i32, i32, i32
  }
  func.func @transform_2(%arg0: i32, %arg1: i32, %arg2: i32, %arg3: i32) -> (i32, i32) {
    %c0_i32 = arith.constant 0 : i32
    %c0_i32_0 = arith.constant 0 : i32
    %c0_i32_1 = arith.constant 0 : i32
    return %c0_i32, %c0_i32_0 : i32, i32
  }
  func.func @transform_3(%arg0: i32, %arg1: i32, %arg2: i32, %arg3: i32) -> (i32, i32, i32, i32, i32) {
    %c0_i32 = arith.constant 0 : i32
    %c0_i32_0 = arith.constant 0 : i32
    return %arg0, %arg1, %arg2, %arg3, %c0_i32 : i32, i32, i32, i32, i32
  }
}

module attributes {stable_mosaic.version = 14 : i64} {
  func.func @_dec2_body(%arg0: i32, %arg1: i32, %arg2: memref<1x114x114x64xf32, #tpu.memory_space<vmem>>, %arg3: memref<3x3x64x4xf32, #tpu.memory_space<vmem>>, %arg4: memref<1x1xf32, #tpu.memory_space<vmem>>, %arg5: memref<1x3136x4xf32, #tpu.memory_space<vmem>>) attributes {dimension_semantics = [#tpu.dimension_semantics<arbitrary>, #tpu.dimension_semantics<arbitrary>], iteration_bounds = array<i64: 16, 4>, scalar_prefetch = 0 : i64, scratch_operands = 0 : i64, tpu.core_type = #tpu.core_type<tc>, window_params = [{transform_indices = @transform_0, window_bounds = array<i64: 1, 114, 114, 64>}, {pipeline_mode = #tpu.pipeline_mode<synchronous>, transform_indices = @transform_1, window_bounds = array<i64: 3, 3, 64, 4>}, {pipeline_mode = #tpu.pipeline_mode<synchronous>, transform_indices = @transform_2, window_bounds = array<i64: 1, 1>}, {transform_indices = @transform_3, window_bounds = array<i64: 1, 3136, 4>}]} {
    %broadcast_in_dim3A = arith.constant 0.000000e+00 : f32
    %broadcast_in_dim3A_0 = vector.broadcast %broadcast_in_dim3A : f32 to vector<3136x4xf32>
    %mul3A = arith.constant 28 : i32
    %mul3A_1 = arith.muli %mul3A, %arg1 : i32
    %add3A = arith.constant 0 : i32
    %add3A_2 = arith.addi %mul3A_1, %add3A : i32
    %get3A = arith.constant 0 : index
    %get3A_3 = arith.index_cast %add3A_2 : i32 to index
    %get3A_4 = arith.constant 0 : index
    %get3A_5 = arith.constant 0 : index
    %get3A_6 = vector.load %arg2[%get3A, %get3A_3, %get3A_4, %get3A_5] : memref<1x114x114x64xf32, #tpu.memory_space<vmem>>, vector<1x28x112x64xf32>
    %get3A_7 = vector.shape_cast %get3A_6 : vector<1x28x112x64xf32> to vector<28x112x64xf32>
    %reshape3A = vector.shape_cast %get3A_7 : vector<28x112x64xf32> to vector<3136x64xf32>
    %get3A_8 = arith.constant 0 : index
    %get3A_9 = arith.constant 0 : index
    %get3A_10 = arith.constant 0 : index
    %get3A_11 = arith.constant 0 : index
    %get3A_12 = vector.load %arg3[%get3A_8, %get3A_9, %get3A_10, %get3A_11] : memref<3x3x64x4xf32, #tpu.memory_space<vmem>>, vector<1x1x64x4xf32>
    %get3A_13 = vector.shape_cast %get3A_12 : vector<1x1x64x4xf32> to vector<64x4xf32>
    %dot_general3A = arith.constant dense<0.000000e+00> : vector<3136x4xf32>
    %dot_general3A_14 = tpu.matmul %reshape3A, %get3A_13, %dot_general3A {dimension_numbers = #tpu.dot_dimension_numbers<[1], [0], [0], [1], [0, 0, 1, 1], [], []>, transpose_lhs_hint = false} : vector<3136x64xf32>, vector<64x4xf32>, vector<3136x4xf32> -> vector<3136x4xf32>
    %add3A_15 = arith.addf %broadcast_in_dim3A_0, %dot_general3A_14 : vector<3136x4xf32>
    %mul3A_16 = arith.constant 28 : i32
    %mul3A_17 = arith.muli %mul3A_16, %arg1 : i32
    %add3A_18 = arith.constant 0 : i32
    %add3A_19 = arith.addi %mul3A_17, %add3A_18 : i32
    %get3A_20 = arith.constant 0 : index
    %get3A_21 = arith.index_cast %add3A_19 : i32 to index
    %get3A_22 = arith.constant 1 : index
    %get3A_23 = arith.constant 0 : index
    %get3A_24 = vector.load %arg2[%get3A_20, %get3A_21, %get3A_22, %get3A_23] : memref<1x114x114x64xf32, #tpu.memory_space<vmem>>, vector<1x28x112x64xf32>
    %get3A_25 = vector.shape_cast %get3A_24 : vector<1x28x112x64xf32> to vector<28x112x64xf32>
    %reshape3A_26 = vector.shape_cast %get3A_25 : vector<28x112x64xf32> to vector<3136x64xf32>
    %get3A_27 = arith.constant 0 : index
    %get3A_28 = arith.constant 1 : index
    %get3A_29 = arith.constant 0 : index
    %get3A_30 = arith.constant 0 : index
    %get3A_31 = vector.load %arg3[%get3A_27, %get3A_28, %get3A_29, %get3A_30] : memref<3x3x64x4xf32, #tpu.memory_space<vmem>>, vector<1x1x64x4xf32>
    %get3A_32 = vector.shape_cast %get3A_31 : vector<1x1x64x4xf32> to vector<64x4xf32>
    %dot_general3A_33 = arith.constant dense<0.000000e+00> : vector<3136x4xf32>
    %dot_general3A_34 = tpu.matmul %reshape3A_26, %get3A_32, %dot_general3A_33 {dimension_numbers = #tpu.dot_dimension_numbers<[1], [0], [0], [1], [0, 0, 1, 1], [], []>, transpose_lhs_hint = false} : vector<3136x64xf32>, vector<64x4xf32>, vector<3136x4xf32> -> vector<3136x4xf32>
    %add3A_35 = arith.addf %add3A_15, %dot_general3A_34 : vector<3136x4xf32>
    %mul3A_36 = arith.constant 28 : i32
    %mul3A_37 = arith.muli %mul3A_36, %arg1 : i32
    %add3A_38 = arith.constant 0 : i32
    %add3A_39 = arith.addi %mul3A_37, %add3A_38 : i32
    %get3A_40 = arith.constant 0 : index
    %get3A_41 = arith.index_cast %add3A_39 : i32 to index
    %get3A_42 = arith.constant 2 : index
    %get3A_43 = arith.constant 0 : index
    %get3A_44 = vector.load %arg2[%get3A_40, %get3A_41, %get3A_42, %get3A_43] : memref<1x114x114x64xf32, #tpu.memory_space<vmem>>, vector<1x28x112x64xf32>
    %get3A_45 = vector.shape_cast %get3A_44 : vector<1x28x112x64xf32> to vector<28x112x64xf32>
    %reshape3A_46 = vector.shape_cast %get3A_45 : vector<28x112x64xf32> to vector<3136x64xf32>
    %get3A_47 = arith.constant 0 : index
    %get3A_48 = arith.constant 2 : index
    %get3A_49 = arith.constant 0 : index
    %get3A_50 = arith.constant 0 : index
    %get3A_51 = vector.load %arg3[%get3A_47, %get3A_48, %get3A_49, %get3A_50] : memref<3x3x64x4xf32, #tpu.memory_space<vmem>>, vector<1x1x64x4xf32>
    %get3A_52 = vector.shape_cast %get3A_51 : vector<1x1x64x4xf32> to vector<64x4xf32>
    %dot_general3A_53 = arith.constant dense<0.000000e+00> : vector<3136x4xf32>
    %dot_general3A_54 = tpu.matmul %reshape3A_46, %get3A_52, %dot_general3A_53 {dimension_numbers = #tpu.dot_dimension_numbers<[1], [0], [0], [1], [0, 0, 1, 1], [], []>, transpose_lhs_hint = false} : vector<3136x64xf32>, vector<64x4xf32>, vector<3136x4xf32> -> vector<3136x4xf32>
    %add3A_55 = arith.addf %add3A_35, %dot_general3A_54 : vector<3136x4xf32>
    %mul3A_56 = arith.constant 28 : i32
    %mul3A_57 = arith.muli %mul3A_56, %arg1 : i32
    %add3A_58 = arith.constant 1 : i32
    %add3A_59 = arith.addi %mul3A_57, %add3A_58 : i32
    %get3A_60 = arith.constant 0 : index
    %get3A_61 = arith.index_cast %add3A_59 : i32 to index
    %get3A_62 = arith.constant 0 : index
    %get3A_63 = arith.constant 0 : index
    %get3A_64 = vector.load %arg2[%get3A_60, %get3A_61, %get3A_62, %get3A_63] : memref<1x114x114x64xf32, #tpu.memory_space<vmem>>, vector<1x28x112x64xf32>
    %get3A_65 = vector.shape_cast %get3A_64 : vector<1x28x112x64xf32> to vector<28x112x64xf32>
    %reshape3A_66 = vector.shape_cast %get3A_65 : vector<28x112x64xf32> to vector<3136x64xf32>
    %get3A_67 = arith.constant 1 : index
    %get3A_68 = arith.constant 0 : index
    %get3A_69 = arith.constant 0 : index
    %get3A_70 = arith.constant 0 : index
    %get3A_71 = vector.load %arg3[%get3A_67, %get3A_68, %get3A_69, %get3A_70] : memref<3x3x64x4xf32, #tpu.memory_space<vmem>>, vector<1x1x64x4xf32>
    %get3A_72 = vector.shape_cast %get3A_71 : vector<1x1x64x4xf32> to vector<64x4xf32>
    %dot_general3A_73 = arith.constant dense<0.000000e+00> : vector<3136x4xf32>
    %dot_general3A_74 = tpu.matmul %reshape3A_66, %get3A_72, %dot_general3A_73 {dimension_numbers = #tpu.dot_dimension_numbers<[1], [0], [0], [1], [0, 0, 1, 1], [], []>, transpose_lhs_hint = false} : vector<3136x64xf32>, vector<64x4xf32>, vector<3136x4xf32> -> vector<3136x4xf32>
    %add3A_75 = arith.addf %add3A_55, %dot_general3A_74 : vector<3136x4xf32>
    %mul3A_76 = arith.constant 28 : i32
    %mul3A_77 = arith.muli %mul3A_76, %arg1 : i32
    %add3A_78 = arith.constant 1 : i32
    %add3A_79 = arith.addi %mul3A_77, %add3A_78 : i32
    %get3A_80 = arith.constant 0 : index
    %get3A_81 = arith.index_cast %add3A_79 : i32 to index
    %get3A_82 = arith.constant 1 : index
    %get3A_83 = arith.constant 0 : index
    %get3A_84 = vector.load %arg2[%get3A_80, %get3A_81, %get3A_82, %get3A_83] : memref<1x114x114x64xf32, #tpu.memory_space<vmem>>, vector<1x28x112x64xf32>
    %get3A_85 = vector.shape_cast %get3A_84 : vector<1x28x112x64xf32> to vector<28x112x64xf32>
    %reshape3A_86 = vector.shape_cast %get3A_85 : vector<28x112x64xf32> to vector<3136x64xf32>
    %get3A_87 = arith.constant 1 : index
    %get3A_88 = arith.constant 1 : index
    %get3A_89 = arith.constant 0 : index
    %get3A_90 = arith.constant 0 : index
    %get3A_91 = vector.load %arg3[%get3A_87, %get3A_88, %get3A_89, %get3A_90] : memref<3x3x64x4xf32, #tpu.memory_space<vmem>>, vector<1x1x64x4xf32>
    %get3A_92 = vector.shape_cast %get3A_91 : vector<1x1x64x4xf32> to vector<64x4xf32>
    %dot_general3A_93 = arith.constant dense<0.000000e+00> : vector<3136x4xf32>
    %dot_general3A_94 = tpu.matmul %reshape3A_86, %get3A_92, %dot_general3A_93 {dimension_numbers = #tpu.dot_dimension_numbers<[1], [0], [0], [1], [0, 0, 1, 1], [], []>, transpose_lhs_hint = false} : vector<3136x64xf32>, vector<64x4xf32>, vector<3136x4xf32> -> vector<3136x4xf32>
    %add3A_95 = arith.addf %add3A_75, %dot_general3A_94 : vector<3136x4xf32>
    %mul3A_96 = arith.constant 28 : i32
    %mul3A_97 = arith.muli %mul3A_96, %arg1 : i32
    %add3A_98 = arith.constant 1 : i32
    %add3A_99 = arith.addi %mul3A_97, %add3A_98 : i32
    %get3A_100 = arith.constant 0 : index
    %get3A_101 = arith.index_cast %add3A_99 : i32 to index
    %get3A_102 = arith.constant 2 : index
    %get3A_103 = arith.constant 0 : index
    %get3A_104 = vector.load %arg2[%get3A_100, %get3A_101, %get3A_102, %get3A_103] : memref<1x114x114x64xf32, #tpu.memory_space<vmem>>, vector<1x28x112x64xf32>
    %get3A_105 = vector.shape_cast %get3A_104 : vector<1x28x112x64xf32> to vector<28x112x64xf32>
    %reshape3A_106 = vector.shape_cast %get3A_105 : vector<28x112x64xf32> to vector<3136x64xf32>
    %get3A_107 = arith.constant 1 : index
    %get3A_108 = arith.constant 2 : index
    %get3A_109 = arith.constant 0 : index
    %get3A_110 = arith.constant 0 : index
    %get3A_111 = vector.load %arg3[%get3A_107, %get3A_108, %get3A_109, %get3A_110] : memref<3x3x64x4xf32, #tpu.memory_space<vmem>>, vector<1x1x64x4xf32>
    %get3A_112 = vector.shape_cast %get3A_111 : vector<1x1x64x4xf32> to vector<64x4xf32>
    %dot_general3A_113 = arith.constant dense<0.000000e+00> : vector<3136x4xf32>
    %dot_general3A_114 = tpu.matmul %reshape3A_106, %get3A_112, %dot_general3A_113 {dimension_numbers = #tpu.dot_dimension_numbers<[1], [0], [0], [1], [0, 0, 1, 1], [], []>, transpose_lhs_hint = false} : vector<3136x64xf32>, vector<64x4xf32>, vector<3136x4xf32> -> vector<3136x4xf32>
    %add3A_115 = arith.addf %add3A_95, %dot_general3A_114 : vector<3136x4xf32>
    %mul3A_116 = arith.constant 28 : i32
    %mul3A_117 = arith.muli %mul3A_116, %arg1 : i32
    %add3A_118 = arith.constant 2 : i32
    %add3A_119 = arith.addi %mul3A_117, %add3A_118 : i32
    %get3A_120 = arith.constant 0 : index
    %get3A_121 = arith.index_cast %add3A_119 : i32 to index
    %get3A_122 = arith.constant 0 : index
    %get3A_123 = arith.constant 0 : index
    %get3A_124 = vector.load %arg2[%get3A_120, %get3A_121, %get3A_122, %get3A_123] : memref<1x114x114x64xf32, #tpu.memory_space<vmem>>, vector<1x28x112x64xf32>
    %get3A_125 = vector.shape_cast %get3A_124 : vector<1x28x112x64xf32> to vector<28x112x64xf32>
    %reshape3A_126 = vector.shape_cast %get3A_125 : vector<28x112x64xf32> to vector<3136x64xf32>
    %get3A_127 = arith.constant 2 : index
    %get3A_128 = arith.constant 0 : index
    %get3A_129 = arith.constant 0 : index
    %get3A_130 = arith.constant 0 : index
    %get3A_131 = vector.load %arg3[%get3A_127, %get3A_128, %get3A_129, %get3A_130] : memref<3x3x64x4xf32, #tpu.memory_space<vmem>>, vector<1x1x64x4xf32>
    %get3A_132 = vector.shape_cast %get3A_131 : vector<1x1x64x4xf32> to vector<64x4xf32>
    %dot_general3A_133 = arith.constant dense<0.000000e+00> : vector<3136x4xf32>
    %dot_general3A_134 = tpu.matmul %reshape3A_126, %get3A_132, %dot_general3A_133 {dimension_numbers = #tpu.dot_dimension_numbers<[1], [0], [0], [1], [0, 0, 1, 1], [], []>, transpose_lhs_hint = false} : vector<3136x64xf32>, vector<64x4xf32>, vector<3136x4xf32> -> vector<3136x4xf32>
    %add3A_135 = arith.addf %add3A_115, %dot_general3A_134 : vector<3136x4xf32>
    %mul3A_136 = arith.constant 28 : i32
    %mul3A_137 = arith.muli %mul3A_136, %arg1 : i32
    %add3A_138 = arith.constant 2 : i32
    %add3A_139 = arith.addi %mul3A_137, %add3A_138 : i32
    %get3A_140 = arith.constant 0 : index
    %get3A_141 = arith.index_cast %add3A_139 : i32 to index
    %get3A_142 = arith.constant 1 : index
    %get3A_143 = arith.constant 0 : index
    %get3A_144 = vector.load %arg2[%get3A_140, %get3A_141, %get3A_142, %get3A_143] : memref<1x114x114x64xf32, #tpu.memory_space<vmem>>, vector<1x28x112x64xf32>
    %get3A_145 = vector.shape_cast %get3A_144 : vector<1x28x112x64xf32> to vector<28x112x64xf32>
    %reshape3A_146 = vector.shape_cast %get3A_145 : vector<28x112x64xf32> to vector<3136x64xf32>
    %get3A_147 = arith.constant 2 : index
    %get3A_148 = arith.constant 1 : index
    %get3A_149 = arith.constant 0 : index
    %get3A_150 = arith.constant 0 : index
    %get3A_151 = vector.load %arg3[%get3A_147, %get3A_148, %get3A_149, %get3A_150] : memref<3x3x64x4xf32, #tpu.memory_space<vmem>>, vector<1x1x64x4xf32>
    %get3A_152 = vector.shape_cast %get3A_151 : vector<1x1x64x4xf32> to vector<64x4xf32>
    %dot_general3A_153 = arith.constant dense<0.000000e+00> : vector<3136x4xf32>
    %dot_general3A_154 = tpu.matmul %reshape3A_146, %get3A_152, %dot_general3A_153 {dimension_numbers = #tpu.dot_dimension_numbers<[1], [0], [0], [1], [0, 0, 1, 1], [], []>, transpose_lhs_hint = false} : vector<3136x64xf32>, vector<64x4xf32>, vector<3136x4xf32> -> vector<3136x4xf32>
    %add3A_155 = arith.addf %add3A_135, %dot_general3A_154 : vector<3136x4xf32>
    %mul3A_156 = arith.constant 28 : i32
    %mul3A_157 = arith.muli %mul3A_156, %arg1 : i32
    %add3A_158 = arith.constant 2 : i32
    %add3A_159 = arith.addi %mul3A_157, %add3A_158 : i32
    %get3A_160 = arith.constant 0 : index
    %get3A_161 = arith.index_cast %add3A_159 : i32 to index
    %get3A_162 = arith.constant 2 : index
    %get3A_163 = arith.constant 0 : index
    %get3A_164 = vector.load %arg2[%get3A_160, %get3A_161, %get3A_162, %get3A_163] : memref<1x114x114x64xf32, #tpu.memory_space<vmem>>, vector<1x28x112x64xf32>
    %get3A_165 = vector.shape_cast %get3A_164 : vector<1x28x112x64xf32> to vector<28x112x64xf32>
    %reshape3A_166 = vector.shape_cast %get3A_165 : vector<28x112x64xf32> to vector<3136x64xf32>
    %get3A_167 = arith.constant 2 : index
    %get3A_168 = arith.constant 2 : index
    %get3A_169 = arith.constant 0 : index
    %get3A_170 = arith.constant 0 : index
    %get3A_171 = vector.load %arg3[%get3A_167, %get3A_168, %get3A_169, %get3A_170] : memref<3x3x64x4xf32, #tpu.memory_space<vmem>>, vector<1x1x64x4xf32>
    %get3A_172 = vector.shape_cast %get3A_171 : vector<1x1x64x4xf32> to vector<64x4xf32>
    %dot_general3A_173 = arith.constant dense<0.000000e+00> : vector<3136x4xf32>
    %dot_general3A_174 = tpu.matmul %reshape3A_166, %get3A_172, %dot_general3A_173 {dimension_numbers = #tpu.dot_dimension_numbers<[1], [0], [0], [1], [0, 0, 1, 1], [], []>, transpose_lhs_hint = false} : vector<3136x64xf32>, vector<64x4xf32>, vector<3136x4xf32> -> vector<3136x4xf32>
    %add3A_175 = arith.addf %add3A_155, %dot_general3A_174 : vector<3136x4xf32>
    %get3A_176 = arith.constant 0 : index
    %get3A_177 = arith.constant 0 : index
    %get3A_178 = vector.load %arg4[%get3A_176, %get3A_177] : memref<1x1xf32, #tpu.memory_space<vmem>>, vector<1x1xf32>
    %add3A_179 = vector.broadcast %get3A_178 : vector<1x1xf32> to vector<3136x4xf32>
    %add3A_180 = arith.addf %add3A_175, %add3A_179 : vector<3136x4xf32>
    %logistic3A = arith.negf %add3A_180 : vector<3136x4xf32>
    %logistic3A_181 = math.exp %logistic3A : vector<3136x4xf32>
    %logistic3A_182 = arith.constant 1.000000e+00 : f32
    %logistic3A_183 = vector.broadcast %logistic3A_182 : f32 to vector<3136x4xf32>
    %logistic3A_184 = arith.addf %logistic3A_183, %logistic3A_181 : vector<3136x4xf32>
    %logistic3A_185 = arith.divf %logistic3A_183, %logistic3A_184 : vector<3136x4xf32>
    %swap3A = arith.constant 0 : index
    %swap3A_186 = arith.constant 0 : index
    %swap3A_187 = arith.constant 0 : index
    %swap3A_188 = vector.load %arg5[%swap3A, %swap3A_186, %swap3A_187] : memref<1x3136x4xf32, #tpu.memory_space<vmem>>, vector<1x3136x4xf32>
    %swap3A_189 = vector.shape_cast %swap3A_188 : vector<1x3136x4xf32> to vector<3136x4xf32>
    %swap3A_190 = vector.shape_cast %logistic3A_185 : vector<3136x4xf32> to vector<1x3136x4xf32>
    tpu.vector_store %arg5[%swap3A, %swap3A_186, %swap3A_187], %swap3A_190 {strides = array<i32>} : memref<1x3136x4xf32, #tpu.memory_space<vmem>>, vector<1x3136x4xf32>,
    return
  }
  func.func @transform_0(%arg0: i32, %arg1: i32) -> (i32, i32, i32, i32) {
    %c0_i32 = arith.constant 0 : i32
    %c0_i32_0 = arith.constant 0 : i32
    %c0_i32_1 = arith.constant 0 : i32
    %c0_i32_2 = arith.constant 0 : i32
    return %arg0, %c0_i32, %c0_i32_0, %c0_i32_1 : i32, i32, i32, i32
  }
  func.func @transform_1(%arg0: i32, %arg1: i32) -> (i32, i32, i32, i32) {
    %c0_i32 = arith.constant 0 : i32
    %c0_i32_0 = arith.constant 0 : i32
    %c0_i32_1 = arith.constant 0 : i32
    %c0_i32_2 = arith.constant 0 : i32
    %c0_i32_3 = arith.constant 0 : i32
    return %c0_i32, %c0_i32_0, %c0_i32_1, %c0_i32_2 : i32, i32, i32, i32
  }
  func.func @transform_2(%arg0: i32, %arg1: i32) -> (i32, i32) {
    %c0_i32 = arith.constant 0 : i32
    %c0_i32_0 = arith.constant 0 : i32
    %c0_i32_1 = arith.constant 0 : i32
    return %c0_i32, %c0_i32_0 : i32, i32
  }
  func.func @transform_3(%arg0: i32, %arg1: i32) -> (i32, i32, i32) {
    %c0_i32 = arith.constant 0 : i32
    %c0_i32_0 = arith.constant 0 : i32
    return %arg0, %arg1, %c0_i32 : i32, i32, i32
  }
}

</mosaic_0001>

<sc_bundles>
// kernel: sparse-core-data-format-call.1.cloned.1.call-start
scs
called_computation.1_lowered:
.L_overlay_start_0:
0x0: {  	s1 =	sld [smem:$0x3FD9]  }
0x1: {  	s2 =	sld [smem:$0x3FFE];
	_ =	sdelay $0x1  }
0x2: {  	s3 =	srdreg.scid  }
0x3: {  	s0 =	sand.u32 $0x1, s3  }
0x4: {  	s17 =	sshll.u32 s0, $0xA;
	s1 =	sadd.s32 s2, s1  }
0x5: {  	s1 =	sadd.s32 s1, s17  }
0x6: {  	[smem:$0x3FBE] =	sst s1  }
0x7: {  	_ = 	snop  }
0x8: {  	(tm) =	ssettm $0x1  }
0x9: {  	s18 =	sld [smem:$0x3FFB];
	_ =	sdelay $0x3  }
0xa: {  	_ =	strace s18  }
0xb: {  	s1 =	sld [smem:$0x3FFC];
	_ =	sdelay $0x3  }
0xc: {  	_ =	strace s1  }
0xd: {  	s1 =	sld [smem:$0x3FFD];
	_ =	sdelay $0x3  }
0xe: {  	_ =	strace s1  }
0xf: {  	_ =	strace $0x8FFFFFFF  }
0x10: {  	s19 =	sld [smem:$0x3FDB];
	_ =	sdelay $0x1  }
0x11: {  	s20 =	simm.s32 $_scs_section_size  }
0x12: {  	s4 =	simm.s32 $_size__tile_overlayer_lowered;
	s5 =	simm.s32 $_tile_overlayer_lowered  }
0x13: {  	s23 =	simm.s32 $0x1BFF;
	s22 =	sshll.u32 s5, $0x1;
	s1 =	sadd.s32 s20, s19  }
0x14: {  	s6 =	simm.s32 $0x0;
	s21 =	sshll.u32 s4, $0x1;
	s4 =	sadd.s32 s22, s1  }
0x15: {  	[timem:s6], [sflag:s23] =	dma.local [hbm:s4], s21  }
0x16: {  	_ =	swait.ge [sflag:s23], s21  }
0x17: {  	s2 =	ssub.s32 $0x0, s21;
	[sflag:s23] =	ssyncset.done $0x0  }
0x18: {  	[sflag:s23] =	ssyncadd.s32 s2;
	_ =	sdelay $0x1  }
0x19: {  	s24 =	simm.s32 $0x1B8B  }
0x1a: {  	_ =	swait.ge [sflag:s24], $0x1  }
0x1b: {  	[sflag:s24] =	ssyncset.done $0x0  }
0x1c: {  	s26 =	simm.s32 $0x1B8E;
	s25 =	sld [smem:$0x3FFE];
	[sflag:s24] =	ssyncadd.s32 $0xFFFFFFFF  }
0x1d: {  	s27 =	simm.s32 $execute0_lowered;
	[smem:$0x3FD2] =	sst s26  }
0x1e: {  	s4 =	sshll.u32 s27, $0x1;
	_ =	strace $0x80000049;
	[dreg:$0x1] =	wrdreg $0xFFFFFFFF  }
0x1f: {  	s28 =	simm.s32 $_size_execute0_lowered;
	s1 =	sadd.s32 s1, s4;
	[dreg:$0x0] =	wrdreg $0x0  }
0x20: {  	s4 =	sshll.u32 s28, $0x1;
	[dreg:$0x2] =	wrdreg s1  }
0x21: {  	[dreg:$0x3] =	wrdreg s4  }
0x22: {  	[dreg:$0x4] =	wrdreg $0xC0  }
0x23: {  	_ =	task [dreg:s6], $0x5FFFF  }
0x24: {  	[dreg:$0x1] =	wrdreg $0xFFFFFFFF  }
0x25: {  	[dreg:$0x0] =	wrdreg $0x60  }
0x26: {  	[dreg:$0x2] =	wrdreg s25  }
0x27: {  	[dreg:$0x3] =	wrdreg $0x9  }
0x28: {  	_ =	task.clear_ibuf [dreg:s6], $0x4FFFF;
	_ =	strace $0x90000049  }
0x29: {  	s29 =	simm.s32 $0x9;
	_ =	strace $0x8000004B  }
0x2a: {  	_ =	swait.ge [sflag:s29], $0x1  }
0x2b: {  	[sflag:s29] =	ssyncadd.s32 $0xFFFFFFFF  }
0x2c: {  	_ =	strace $0x9000004B  }
0x2d: {  	_ =	sfence  }
0x2e: {  	s30 =	sld [smem:$0x0];
	_ =	sdelay $0x2  }
0x2f: {  	s31 =	sshll.u32 s3, $0xD;
	s3 =	sshrl.u32 s3, $0x2  }
0x30: {  	s2 =	sand.u32 $0x4000, s31;
	s1 =	sadd.s32 s3, s30  }
0x31: {  	s0 =	sor.u32 s2, s0;
	s1 =	sshll.u32 s1, $0x11  }
0x32: {  	s0 =	sor.u32 s1, s0  }
0x33: {  	s0 =	sadd.s32 $0x8F2B, s0  }
0x34: {  	[sflag:s0] =	ssyncadd.remote.s32 $0x1  }
0x35: {  	_ =	sfence.sel $0xFFFF  }
0x36: {  	[dreg:$0x0] =	wrdreg $0xFFFFFFFF;
	(pc) =	sbr.abs _section_cstart, $3  }
0x37: {  	[dreg:$0x1] =	wrdreg $0xFFFFFFFF  }
0x38: {  	_ =	task.clear_ibuf [dreg:s6], $0x2FFFF;
	_ =	strace $0x9FFFFFFF  }
0x39: {  	(tm) =	ssettm $0x7FFFFFFF  }
tec
execute0_lowered:
.L_overlay_start_1:
0x0: {  	(tag) =	ssettag $0x1  }
0x1: {  	s0 =	srdreg.scid;
	s7 =	rddreg [dreg:$0x0];
	s4 =	simm.s32 $0x1  }
0x2: {  	s8 =	simm.s32 $0x2;
	s16 =	simm.s32 $0x0;
	s9 =	simm.s32 $0x40  }
0x3: {  	s10 =	simm.s32 $0x72000;
	s11 =	simm.s32 $0x0;
	s1 =	sshll.u32 s0, $0x4  }
0x4: {  	s17 =	simm.s32 $0x0;
	s0 =	stileid.u32;
	s1 =	sand.u32 $0x10, s1  }
0x5: {  	s18 =	simm.s32 $0x0;
	s12 =	simm.s32 $0x0;
	s2 =	sor.u32 s0, s1  }
.Ltmp0:
0x6: {  	s13 =	simm.s32 $0x0;
	s3 =	ssub.s32 $0x58, s2;
	(pc) =	sbr.rel .LBB1_1-.Ltmp0, $4  }
0x7: {  	s15 =	simm.s32 $0x0;
	s6 =	sadd.s32 $0x8C00, s7;
	s5 =	sshrl.u32 s3, $0x5  }
0x8: {  	s1 =	rddreg [dreg:$0x1];
	_ =	strace $0x8000004A;
	s5 =	smul.u32 $0x39, s5  }
0x9: {  	[sflag:s4] =	ssyncpa.u1 $0x0;
	s14 =	smov.u32 s2;
	s3 =	sadd.s32 $0x628C00, s7  }
0xa: {  	[sflag:s8] =	ssyncpa.u1 $0x0;
	s7 =	sadd.s32 $0x62FE00, s7;
	s8 =	sadd.s32 $0x1, s5  }
.LBB1_9:
0xb: {  	s19 =	sadd.s32 $0x1, s12  }
0xc: {  	s16 =	sadd.s32 $0x2, s13;
	s20 =	smov.u32 s13;
	p1 =	sgt.s32 s19, $0x38  }
0xd: {  	s20 =	smov.u32 @p1 s16  }
0xe: {  	s22 =	smov.u32 s14;
	s16 =	sadd.s32 $0x20, s14;
	p2 =	sgt.s32 s20, $0x1  }
0xf: {  	s22 =	smov.u32 @p2 s16  }
0x10: {  	s19 =	simm.s32 @p1 $0x0;
	p1 =	sgt.s32 s22, $0x38  }
0x11: {  	p0 =	slt.u32 s15, $0x2;
	s22 =	smov.u32 @p1 s2;
	p1 =	sne.s32 s15, s8  }
.Ltmp1:
0x12: {  	s21 =	simm.s32 @!p0 $0x2;
	(pc) =	sbr.rel @!p1 .LBB1_10-.Ltmp1, $4  }
0x13: {  	s17 =	smov.u32 s13;
	s18 =	smov.u32 s14;
	_ =	swait.ge @!p0 [sflag:s21], $0x1000  }
0x14: {  	s11 =	sadd.s32 $0x1000, s11;
	[sflag:s21] =	ssyncset.done @!p0 $0x0;
	s20 =	simm.s32 @p2 $0x0  }
0x15: {  	s16 =	smov.u32 s12;
	[sflag:s21] =	ssyncadd.s32 @!p0 $0xFFFFF000;
	s12 =	smov.u32 s19  }
0x16: {  	s13 =	smov.u32 s20;
	s15 =	sadd.s32 $0x1, s15;
	s14 =	smov.u32 s22  }
.LBB1_1:
0x17: {  	p0 =	sge.u32 s15, s5  }
0x18: {  	s19 =	smul.u32 @!p0 $0xE400, s14  }
0x19: {  	s20 =	sxor.u32 @!p0 $0xFFFFFFFF, s15;
	s21 =	smul.u32 @!p0 $0x7200, s13;
	s23 =	sshll.u32 @!p0 s12, $0x9  }
0x1a: {  	s24 =	simm.s32 @!p0 $0x40;
	s25 =	simm.s32 @!p0 $0x80;
	s22 =	sadd.s32 @!p0 s3, s19  }
0x1b: {  	s20 =	sshll.u32 @!p0 s20, $0xC;
	s19 =	sadd.s32 @!p0 s19, s7;
	s22 =	sadd.s32 @!p0 s21, s22  }
0x1c: {  	s20 =	sand.u32 @!p0 $0x1000, s20;
	s19 =	sadd.s32 @!p0 s21, s19;
	s22 =	sadd.s32 @!p0 s23, s22  }
0x1d: {  	[tilespmem:s20], [sflag:$0x1] =	stream.strided.gather @!p0 [hbm4b:s22+s24], $0x800, s25, s24, $0x38;
	[tilespmem:$0x4000] =	vst v63  }
0x1e: {  	s31 =	sadd.s32 $0xFFFFFFFF, s15;
	s19 =	sadd.s32 @!p0 s23, s19;
	s20 =	sor.u32 @!p0 $0x800, s20  }
0x1f: {  	[tilespmem:s20], [sflag:$0x1] =	stream.strided.gather @!p0 [hbm4b:s19+s24], $0x800, s25, s24, $0x38;
	[tilespmem:$0x4000] =	vst v63  }
0x20: {  	p0 =	sge.u32 s31, s5  }
.Ltmp2:
0x21: {  	_ = 	snop;
	(pc) =	sbr.rel @p0 .LBB1_9-.Ltmp2, $1  }
0x22: {  	_ =	sdelay $0x3  }
0x23: {  	s19 =	sshll.u32 s11, $0x2  }
0x24: {  	_ =	swait.ge [sflag:s4], $0x1000;
	s20 =	sshll.u32 s15, $0xC;
	s22 =	simm.s32 $0x0  }
0x25: {  	p1 =	por $0x1, $0x1;
	s19 =	sand.u32 $0x4000, s19;
	[sflag:s4] =	ssyncset.done $0x0  }
0x26: {  	s20 =	sand.u32 $0x1000, s20;
	s21 =	sshrl.u32 s19, $0x2;
	[sflag:s4] =	ssyncadd.s32 $0xFFFFF000  }
0x27: {  	s19 =	sor.u32 $0x2000, s20;
	s20 =	sadd.s32 $0x2020, s21;
	s21 =	sadd.s32 $0x20, s21  }
.LBB1_3:
0x28: {  	s23 =	sshll.u32 s22, $0x7;
	s24 =	sshll.u32 s22, $0xB;
	p0 =	por p1, p1  }
0x29: {  	p2 =	por $0x1, $0x1;
	s23 =	sand.u32 $0x3FFFFF80, s23;
	s31 =	sand.u32 $0x3FFFF800, s24  }
0x2a: {  	s24 =	simm.s32 $0x0;
	s22 =	sadd.s32 s23, s20;
	s23 =	sadd.s32 s31, s21  }
.LBB1_4:
0x2b: {  	s25 =	sshll.u32 s24, $0xA  }
0x2c: {  	s25 =	sand.u32 $0x3FFFFC00, s25  }
0x2d: {  	s25 =	sadd.s32 s25, s23  }
0x2e: {  	v0 =	vmov s25;
	_ =	sdelay $0x3  }
0x2f: {  	s26 =	simm.s32 $0x0  }
0x30: {  	v1 =	vld.idx.msk [tilespmem:v0+s26+$0x10 ss:$0x1], $0xffff  }
0x31: {  	s31 =	sshll.u32 s24, $0x6;
	v2 =	vld.idx.msk [tilespmem:v0+s26+$0xFFFFFFE0 ss:$0x1], $0xffff  }
0x32: {  	s24 =	sand.u32 $0x3FFFFFC0, s31;
	v3 =	vld.idx.msk [tilespmem:v0+s26+$0xFFFFFFF0 ss:$0x1], $0xffff  }
0x33: {  	p1 =	por p2, p2;
	s24 =	sadd.s32 s24, s22;
	s25 =	simm.s32 $0x100;
	v4 =	vld.idx.msk [tilespmem:v0+s26+$0x0 ss:$0x1], $0xffff  }
.LBB1_5:
0x34: {  	s26 =	sshra.s32 s25, $0x2;
	p2 =	sne.s32 s25, $0xF00;
	s25 =	sadd.s32 $0x100, s25  }
.Ltmp3:
0x35: {  	[tilespmem:s24+$0x10] =	vst v1;
	v1 =	vld.idx.msk [tilespmem:v0+s26+$0x10 ss:$0x1], $0xffff;
	(pc) =	sbr.rel @p2 .LBB1_5-.Ltmp3, $4  }
0x36: {  	[tilespmem:s24+$0xFFFFFFE0] =	vst v2;
	v2 =	vld.idx.msk [tilespmem:v0+s26+$0xFFFFFFE0 ss:$0x1], $0xffff  }
0x37: {  	[tilespmem:s24+$0xFFFFFFF0] =	vst v3;
	v3 =	vld.idx.msk [tilespmem:v0+s26+$0xFFFFFFF0 ss:$0x1], $0xffff  }
0x38: {  	[tilespmem:s24+$0x0] =	vst v4;
	v4 =	vld.idx.msk [tilespmem:v0+s26+$0x0 ss:$0x1], $0xffff  }
0x39: {  	s24 =	sadd.s32 $0x100, s24  }
.Ltmp4:
0x3a: {  	(pc) =	sbr.rel @p1 .LBB1_4-.Ltmp4, $4  }
0x3b: {  	[tilespmem:s24+$0x10] =	vst v1  }
0x3c: {  	[tilespmem:s24+$0xFFFFFFE0] =	vst v2  }
0x3d: {  	[tilespmem:s24+$0xFFFFFFF0] =	vst v3  }
0x3e: {  	p2 =	por $0x0, $0x0;
	[tilespmem:s24+$0x0] =	vst v4;
	s24 =	simm.s32 $0x1  }
.Ltmp5:
0x3f: {  	(pc) =	sbr.rel @p0 .LBB1_3-.Ltmp5, $2  }
0x40: {  	_ =	sdelay $0x2  }
0x41: {  	s22 =	simm.s32 $0x1;
	p1 =	por $0x0, $0x0  }
0x42: {  	s17 =	smul.u32 $0x1C800, s17  }
.Ltmp6:
0x43: {  	s18 =	sshll.u32 s18, $0xA;
	(pc) =	sbr.rel .LBB1_9-.Ltmp6, $4  }
0x44: {  	s16 =	sshll.u32 s16, $0x4;
	s18 =	sadd.s32 s6, s18  }
0x45: {  	s16 =	sand.u32 $0x3F0, s16;
	s17 =	sadd.s32 s17, s18  }
0x46: {  	s16 =	sadd.s32 s16, s17  }
0x47: {  	[hbm4b:s16+s9] =	stream.strided.scatter [tilespmem:s19], [sflag:$0x2], $0x1000, s10, s9, $0x38;
	[tilespmem:$0x4000] =	vst v63  }
.LBB1_10:
0x48: {  	_ =	sfence.sel $0x180000  }
0x49: {  	s2 =	simm.s32 $0x1;
	[bflag:$0x0] =	sbarrier.arrive $0xFFFF  }
0x4a: {  	s31 =	simm.s32 $0x2;
	[sflag:s2] =	ssyncpa.u1 $0x1  }
0x4b: {  	[sflag:s31] =	ssyncpa.u1 $0x1  }
0x4c: {  	p0 =	sne.s32 s0, $0x0;
	_ =	strace $0x9000004A  }
0x4d: {  	s0 =	sadd.s32 @!p0 $0x100000, s1;
	[bflag:$0x2] =	sbarrier.arrive $0xFFFF  }
0x4e: {  	[sflag:s0] =	ssyncadd.tile.s32 @!p0 $0x1;
	_ =	shalt  }
.Lfunc_end1:
_tile_overlayer_lowered:
.L_overlay_start_2:
0x4f: {  	(tag) =	ssettag $0x2  }
0x50: {  	s0 =	rddreg [dreg:$0x0];
	s2 =	stileid.u32  }
0x51: {  	s1 =	rddreg [dreg:$0x1];
	p0 =	sne.s32 s2, $0x0  }
0x52: {  	s3 =	rddreg [dreg:$0x2];
	[bflag:$0x3] =	sbarrier.arrive $0xFFFF;
	s2 =	simm.s32 @!p0 $0x1C01  }
0x53: {  	[timem:s3], [sflag:s2] =	dma.local @!p0 [hbm:s0], s1  }
0x54: {  	s0 =	simm.s32 @!p0 $0x1  }
0x55: {  	_ =	swait.ge @!p0 [sflag:s0], s1  }
0x56: {  	s1 =	ssub.s32 @!p0 $0x0, s1;
	[sflag:s0] =	ssyncset.done @!p0 $0x0  }
0x57: {  	[sflag:s0] =	ssyncadd.s32 @!p0 s1  }
0x58: {  	[bflag:$0x3] =	sbarrier.arrive $0xFFFF  }
0x59: {  	_ =	shalt  }

// kernel: sparse-core-data-format-call.2.cloned.1.call-start
scs
called_computation.2_lowered:
.L_overlay_start_0:
0x0: {  	s1 =	sld [smem:$0x3FD9]  }
0x1: {  	s2 =	sld [smem:$0x3FFE];
	_ =	sdelay $0x1  }
0x2: {  	s3 =	srdreg.scid  }
0x3: {  	s0 =	sand.u32 $0x1, s3  }
0x4: {  	s17 =	sshll.u32 s0, $0xA;
	s1 =	sadd.s32 s2, s1  }
0x5: {  	s1 =	sadd.s32 s1, s17  }
0x6: {  	[smem:$0x3FBE] =	sst s1  }
0x7: {  	_ = 	snop  }
0x8: {  	(tm) =	ssettm $0x1  }
0x9: {  	s18 =	sld [smem:$0x3FFB];
	_ =	sdelay $0x3  }
0xa: {  	_ =	strace s18  }
0xb: {  	s1 =	sld [smem:$0x3FFC];
	_ =	sdelay $0x3  }
0xc: {  	_ =	strace s1  }
0xd: {  	s1 =	sld [smem:$0x3FFD];
	_ =	sdelay $0x3  }
0xe: {  	_ =	strace s1  }
0xf: {  	_ =	strace $0x8FFFFFFF  }
0x10: {  	s19 =	sld [smem:$0x3FDB];
	_ =	sdelay $0x1  }
0x11: {  	s20 =	simm.s32 $_scs_section_size  }
0x12: {  	s4 =	simm.s32 $_size__tile_overlayer_lowered;
	s5 =	simm.s32 $_tile_overlayer_lowered  }
0x13: {  	s23 =	simm.s32 $0x1BFF;
	s22 =	sshll.u32 s5, $0x1;
	s1 =	sadd.s32 s20, s19  }
0x14: {  	s6 =	simm.s32 $0x0;
	s21 =	sshll.u32 s4, $0x1;
	s4 =	sadd.s32 s22, s1  }
0x15: {  	[timem:s6], [sflag:s23] =	dma.local [hbm:s4], s21  }
0x16: {  	_ =	swait.ge [sflag:s23], s21  }
0x17: {  	s2 =	ssub.s32 $0x0, s21;
	[sflag:s23] =	ssyncset.done $0x0  }
0x18: {  	[sflag:s23] =	ssyncadd.s32 s2;
	_ =	sdelay $0x1  }
0x19: {  	s24 =	simm.s32 $0x1B8B  }
0x1a: {  	_ =	swait.ge [sflag:s24], $0x1  }
0x1b: {  	[sflag:s24] =	ssyncset.done $0x0  }
0x1c: {  	s26 =	simm.s32 $0x1B8E;
	s25 =	sld [smem:$0x3FFE];
	[sflag:s24] =	ssyncadd.s32 $0xFFFFFFFF  }
0x1d: {  	s27 =	simm.s32 $execute0_lowered;
	[smem:$0x3FD2] =	sst s26  }
0x1e: {  	s4 =	sshll.u32 s27, $0x1;
	_ =	strace $0x80000046;
	[dreg:$0x1] =	wrdreg $0xFFFFFFFF  }
0x1f: {  	s28 =	simm.s32 $_size_execute0_lowered;
	s1 =	sadd.s32 s1, s4;
	[dreg:$0x0] =	wrdreg $0x0  }
0x20: {  	s4 =	sshll.u32 s28, $0x1;
	[dreg:$0x2] =	wrdreg s1  }
0x21: {  	[dreg:$0x3] =	wrdreg s4  }
0x22: {  	[dreg:$0x4] =	wrdreg $0xC0  }
0x23: {  	_ =	task [dreg:s6], $0x5FFFF  }
0x24: {  	[dreg:$0x1] =	wrdreg $0xFFFFFFFF  }
0x25: {  	[dreg:$0x0] =	wrdreg $0x60  }
0x26: {  	[dreg:$0x2] =	wrdreg s25  }
0x27: {  	[dreg:$0x3] =	wrdreg $0x9  }
0x28: {  	_ =	task.clear_ibuf [dreg:s6], $0x4FFFF;
	_ =	strace $0x90000046  }
0x29: {  	s29 =	simm.s32 $0x9;
	_ =	strace $0x80000048  }
0x2a: {  	_ =	swait.ge [sflag:s29], $0x1  }
0x2b: {  	[sflag:s29] =	ssyncadd.s32 $0xFFFFFFFF  }
0x2c: {  	_ =	strace $0x90000048  }
0x2d: {  	_ =	sfence  }
0x2e: {  	s30 =	sld [smem:$0x0];
	_ =	sdelay $0x2  }
0x2f: {  	s31 =	sshll.u32 s3, $0xD;
	s3 =	sshrl.u32 s3, $0x2  }
0x30: {  	s2 =	sand.u32 $0x4000, s31;
	s1 =	sadd.s32 s3, s30  }
0x31: {  	s0 =	sor.u32 s2, s0;
	s1 =	sshll.u32 s1, $0x11  }
0x32: {  	s0 =	sor.u32 s1, s0  }
0x33: {  	s0 =	sadd.s32 $0x8F2B, s0  }
0x34: {  	[sflag:s0] =	ssyncadd.remote.s32 $0x1  }
0x35: {  	_ =	sfence.sel $0xFFFF  }
0x36: {  	[dreg:$0x0] =	wrdreg $0xFFFFFFFF;
	(pc) =	sbr.abs _section_cstart, $3  }
0x37: {  	[dreg:$0x1] =	wrdreg $0xFFFFFFFF  }
0x38: {  	_ =	task.clear_ibuf [dreg:s6], $0x2FFFF;
	_ =	strace $0x9FFFFFFF  }
0x39: {  	(tm) =	ssettm $0x7FFFFFFF  }
tec
execute0_lowered:
.L_overlay_start_1:
0x0: {  	(tag) =	ssettag $0x1  }
0x1: {  	s0 =	rddreg [dreg:$0x0]  }
0x2: {  	s1 =	srdreg.scid;
	_ =	strace $0x80000047;
	s21 =	stileid.u32  }
0x3: {  	s3 =	simm.s32 $0x1;
	s26 =	simm.s32 $0x2;
	s30 =	simm.s32 $0x0  }
0x4: {  	s31 =	simm.s32 $0x0;
	s28 =	simm.s32 $0x0;
	s29 =	simm.s32 $0x0  }
0x5: {  	s2 =	sadd.s32 $0x8C00, s0;
	s1 =	sshll.u32 s1, $0x4;
	s4 =	sadd.s32 $0x318C00, s0  }
0x6: {  	s22 =	sadd.s32 $0x39C00, s0;
	s23 =	sadd.s32 $0x6AC00, s0;
	s24 =	sadd.s32 $0x9BC00, s0  }
0x7: {  	s25 =	sadd.s32 $0xCCC00, s0;
	s10 =	sadd.s32 $0xFDC00, s0;
	s11 =	sadd.s32 $0x12EC00, s0  }
0x8: {  	[sflag:s3] =	ssyncpa.u1 $0x0;
	s12 =	sadd.s32 $0x15FC00, s0;
	s13 =	sadd.s32 $0x190C00, s0  }
0x9: {  	s14 =	sadd.s32 $0x1C1C00, s0;
	s16 =	sadd.s32 $0x1F2C00, s0;
	[dreg:$0x2] =	wrdreg s2  }
0xa: {  	s17 =	sadd.s32 $0x223C00, s0;
	s18 =	sadd.s32 $0x254C00, s0;
	[dreg:$0x3] =	wrdreg s4  }
0xb: {  	s19 =	sadd.s32 $0x285C00, s0;
	s1 =	sand.u32 $0x10, s1;
	[dreg:$0x4] =	wrdreg s22  }
0xc: {  	s20 =	sadd.s32 $0x2B6C00, s0;
	[dreg:$0x5] =	wrdreg s23;
	s5 =	sor.u32 s21, s1  }
.Ltmp0:
0xd: {  	[dreg:$0x6] =	wrdreg s24;
	s1 =	ssub.s32 $0x8F, s5;
	(pc) =	sbr.rel .LBB1_1-.Ltmp0, $4  }
0xe: {  	[dreg:$0x7] =	wrdreg s25;
	[sflag:s26] =	ssyncpa.u1 $0x0;
	s1 =	sshrl.u32 s1, $0x5  }
0xf: {  	s23 =	simm.s32 $0x40;
	s24 =	simm.s32 $0x80;
	s15 =	smul.u32 $0x7, s1  }
0x10: {  	s25 =	simm.s32 $0x0;
	s26 =	simm.s32 $0x0;
	s21 =	sadd.s32 $0x2E7C00, s0  }
0x11: {  	s0 =	simm.s32 $0x0;
	s27 =	smov.u32 s5;
	s22 =	sadd.s32 $0x1, s15  }
.LBB1_9:
0x12: {  	s1 =	sadd.s32 $0x10, s26  }
0x13: {  	s0 =	sadd.s32 $0x20, s27;
	s2 =	smov.u32 s27;
	p1 =	sgt.s32 s1, $0x6F  }
0x14: {  	s2 =	smov.u32 @p1 s0  }
0x15: {  	s6 =	smov.u32 s28;
	s0 =	sadd.s32 $0x10, s28;
	p2 =	sgt.s32 s2, $0x6F  }
0x16: {  	s6 =	smov.u32 @p2 s0  }
0x17: {  	s1 =	simm.s32 @p1 $0x0;
	p1 =	sgt.s32 s6, $0xF  }
0x18: {  	p0 =	slt.u32 s29, $0x2;
	s6 =	simm.s32 @p1 $0x0;
	p1 =	sne.s32 s29, s22  }
.Ltmp1:
0x19: {  	s4 =	simm.s32 @!p0 $0x2;
	(pc) =	sbr.rel @!p1 .LBB1_10-.Ltmp1, $4  }
0x1a: {  	s30 =	smov.u32 s26;
	s31 =	smov.u32 s27;
	_ =	swait.ge @!p0 [sflag:s4], $0x4000  }
0x1b: {  	s25 =	sadd.s32 $0x4000, s25;
	[sflag:s4] =	ssyncset.done @!p0 $0x0;
	s26 =	smov.u32 s1  }
0x1c: {  	s2 =	smov.u32 @p2 s5;
	s0 =	smov.u32 s28;
	[sflag:s4] =	ssyncadd.s32 @!p0 $0xFFFFC000  }
0x1d: {  	s27 =	smov.u32 s2;
	s29 =	sadd.s32 $0x1, s29;
	s28 =	smov.u32 s6  }
.LBB1_1:
0x1e: {  	p0 =	sge.u32 s29, s15  }
.Ltmp2:
0x1f: {  	_ = 	snop;
	(pc) =	sbr.rel @p0 .LBB1_3-.Ltmp2, $1  }
0x20: {  	_ =	sdelay $0x3  }
0x21: {  	s4 =	sand.u32 $0x1FFFFFF, s26  }
0x22: {  	s1 =	smulhi.u32 $0x2492493, s4;
	_ =	sdelay $0x1  }
0x23: {  	s6 =	smul.u32 $0x70, s1  }
0x24: {  	s1 =	smul.u32 $0x31000, s28  }
0x25: {  	s2 =	smul.u32 $0x700, s27;
	s8 =	rddreg [dreg:$0x2]  }
0x26: {  	s7 =	sxor.u32 $0xFFFFFFFF, s29;
	s4 =	ssub.s32 s4, s6;
	s6 =	sadd.s32 s8, s1  }
0x27: {  	s7 =	sshll.u32 s7, $0xE;
	s4 =	sshll.u32 s4, $0x4;
	s8 =	sadd.s32 s2, s6  }
0x28: {  	s6 =	sand.u32 $0x4000, s7;
	s9 =	sadd.s32 s4, s8;
	s8 =	rddreg [dreg:$0x4]  }
0x29: {  	[tilespmem:s6], [sflag:$0x1] =	stream.strided.gather [hbm4b:s9+s23], $0x400, s24, s23, $0x38;
	[tilespmem:$0x10000] =	vst v63  }
0x2a: {  	s7 =	sadd.s32 s1, s8  }
0x2b: {  	s7 =	sadd.s32 s2, s7  }
0x2c: {  	s9 =	sor.u32 $0x400, s6;
	s8 =	rddreg [dreg:$0x5];
	s7 =	sadd.s32 s4, s7  }
0x2d: {  	[tilespmem:s9], [sflag:$0x1] =	stream.strided.gather [hbm4b:s7+s23], $0x400, s24, s23, $0x38;
	[tilespmem:$0x10000] =	vst v63  }
0x2e: {  	s7 =	sadd.s32 s1, s8  }
0x2f: {  	s7 =	sadd.s32 s2, s7  }
0x30: {  	s9 =	sor.u32 $0x800, s6;
	s8 =	rddreg [dreg:$0x6];
	s7 =	sadd.s32 s4, s7  }
0x31: {  	[tilespmem:s9], [sflag:$0x1] =	stream.strided.gather [hbm4b:s7+s23], $0x400, s24, s23, $0x38;
	[tilespmem:$0x10000] =	vst v63  }
0x32: {  	s7 =	sadd.s32 s1, s8  }
0x33: {  	s7 =	sadd.s32 s2, s7  }
0x34: {  	s9 =	sor.u32 $0xC00, s6;
	s8 =	rddreg [dreg:$0x7];
	s7 =	sadd.s32 s4, s7  }
0x35: {  	[tilespmem:s9], [sflag:$0x1] =	stream.strided.gather [hbm4b:s7+s23], $0x400, s24, s23, $0x38;
	[tilespmem:$0x10000] =	vst v63  }
0x36: {  	s7 =	sadd.s32 s1, s8  }
0x37: {  	s7 =	sadd.s32 s2, s7  }
0x38: {  	s9 =	sor.u32 $0x1000, s6;
	s8 =	sadd.s32 s1, s10;
	s7 =	sadd.s32 s4, s7  }
0x39: {  	[tilespmem:s9], [sflag:$0x1] =	stream.strided.gather [hbm4b:s7+s23], $0x400, s24, s23, $0x38;
	[tilespmem:$0x10000] =	vst v63  }
0x3a: {  	s7 =	sadd.s32 s2, s8  }
0x3b: {  	s9 =	sor.u32 $0x1400, s6;
	s8 =	sadd.s32 s1, s11;
	s7 =	sadd.s32 s4, s7  }
0x3c: {  	[tilespmem:s9], [sflag:$0x1] =	stream.strided.gather [hbm4b:s7+s23], $0x400, s24, s23, $0x38;
	[tilespmem:$0x10000] =	vst v63  }
0x3d: {  	s7 =	sadd.s32 s2, s8  }
0x3e: {  	s9 =	sor.u32 $0x1800, s6;
	s8 =	sadd.s32 s1, s12;
	s7 =	sadd.s32 s4, s7  }
0x3f: {  	[tilespmem:s9], [sflag:$0x1] =	stream.strided.gather [hbm4b:s7+s23], $0x400, s24, s23, $0x38;
	[tilespmem:$0x10000] =	vst v63  }
0x40: {  	s7 =	sadd.s32 s2, s8  }
0x41: {  	s9 =	sor.u32 $0x1C00, s6;
	s8 =	sadd.s32 s1, s13;
	s7 =	sadd.s32 s4, s7  }
0x42: {  	[tilespmem:s9], [sflag:$0x1] =	stream.strided.gather [hbm4b:s7+s23], $0x400, s24, s23, $0x38;
	[tilespmem:$0x10000] =	vst v63  }
0x43: {  	s7 =	sadd.s32 s2, s8  }
0x44: {  	s9 =	sor.u32 $0x2000, s6;
	s8 =	sadd.s32 s1, s14;
	s7 =	sadd.s32 s4, s7  }
0x45: {  	[tilespmem:s9], [sflag:$0x1] =	stream.strided.gather [hbm4b:s7+s23], $0x400, s24, s23, $0x38;
	[tilespmem:$0x10000] =	vst v63  }
0x46: {  	s7 =	sadd.s32 s2, s8  }
0x47: {  	s9 =	sor.u32 $0x2400, s6;
	s8 =	sadd.s32 s1, s16;
	s7 =	sadd.s32 s4, s7  }
0x48: {  	[tilespmem:s9], [sflag:$0x1] =	stream.strided.gather [hbm4b:s7+s23], $0x400, s24, s23, $0x38;
	[tilespmem:$0x10000] =	vst v63  }
0x49: {  	s7 =	sadd.s32 s2, s8  }
0x4a: {  	s9 =	sor.u32 $0x2800, s6;
	s8 =	sadd.s32 s1, s17;
	s7 =	sadd.s32 s4, s7  }
0x4b: {  	[tilespmem:s9], [sflag:$0x1] =	stream.strided.gather [hbm4b:s7+s23], $0x400, s24, s23, $0x38;
	[tilespmem:$0x10000] =	vst v63  }
0x4c: {  	s7 =	sadd.s32 s2, s8  }
0x4d: {  	s9 =	sor.u32 $0x2C00, s6;
	s8 =	sadd.s32 s1, s18;
	s7 =	sadd.s32 s4, s7  }
0x4e: {  	[tilespmem:s9], [sflag:$0x1] =	stream.strided.gather [hbm4b:s7+s23], $0x400, s24, s23, $0x38;
	[tilespmem:$0x10000] =	vst v63  }
0x4f: {  	s7 =	sadd.s32 s2, s8  }
0x50: {  	s9 =	sor.u32 $0x3000, s6;
	s8 =	sadd.s32 s1, s19;
	s7 =	sadd.s32 s4, s7  }
0x51: {  	[tilespmem:s9], [sflag:$0x1] =	stream.strided.gather [hbm4b:s7+s23], $0x400, s24, s23, $0x38;
	[tilespmem:$0x10000] =	vst v63  }
0x52: {  	s7 =	sadd.s32 s2, s8  }
0x53: {  	s9 =	sor.u32 $0x3400, s6;
	s8 =	sadd.s32 s1, s20;
	s7 =	sadd.s32 s4, s7  }
0x54: {  	[tilespmem:s9], [sflag:$0x1] =	stream.strided.gather [hbm4b:s7+s23], $0x400, s24, s23, $0x38;
	[tilespmem:$0x10000] =	vst v63  }
0x55: {  	s1 =	sadd.s32 s1, s21;
	s7 =	sadd.s32 s2, s8  }
0x56: {  	s1 =	sadd.s32 s2, s1;
	s9 =	sor.u32 $0x3800, s6;
	s7 =	sadd.s32 s4, s7  }
0x57: {  	[tilespmem:s9], [sflag:$0x1] =	stream.strided.gather [hbm4b:s7+s23], $0x400, s24, s23, $0x38;
	[tilespmem:$0x10000] =	vst v63  }
0x58: {  	s1 =	sadd.s32 s4, s1;
	s9 =	sor.u32 $0x3C00, s6  }
0x59: {  	[tilespmem:s9], [sflag:$0x1] =	stream.strided.gather [hbm4b:s1+s23], $0x400, s24, s23, $0x38;
	[tilespmem:$0x10000] =	vst v63  }
.LBB1_3:
0x5a: {  	s1 =	sadd.s32 $0xFFFFFFFF, s29  }
0x5b: {  	p0 =	sge.u32 s1, s15  }
.Ltmp3:
0x5c: {  	_ = 	snop;
	(pc) =	sbr.rel @p0 .LBB1_9-.Ltmp3, $1  }
0x5d: {  	_ =	sdelay $0x3  }
0x5e: {  	s1 =	sand.u32 $0x4000, s25  }
0x5f: {  	_ =	swait.ge [sflag:s3], $0x4000;
	s2 =	sshll.u32 s29, $0xE;
	s6 =	simm.s32 $0x0  }
0x60: {  	s7 =	sor.u32 $0x8020, s1;
	[sflag:s3] =	ssyncset.done $0x0;
	s9 =	sand.u32 $0x4000, s2  }
0x61: {  	s4 =	sor.u32 $0x20, s1;
	[sflag:s3] =	ssyncadd.s32 $0xFFFFC000;
	s1 =	sor.u32 $0x8000, s9  }
.LBB1_5:
0x62: {  	v0 =	vmov s4;
	_ =	sdelay $0x3  }
0x63: {  	s2 =	simm.s32 $0x0  }
0x64: {  	v3 =	vld.idx.msk [tilespmem:v0+s2+$0x10 ss:$0x1], $0xffff  }
0x65: {  	v4 =	vld.idx.msk [tilespmem:v0+s2+$0xFFFFFFE0 ss:$0x1], $0xffff  }
0x66: {  	v1 =	vld.idx.msk [tilespmem:v0+s2+$0xFFFFFFF0 ss:$0x1], $0xffff  }
0x67: {  	s8 =	simm.s32 $0x100;
	v2 =	vld.idx.msk [tilespmem:v0+s2+$0x0 ss:$0x1], $0xffff;
	s2 =	smov.u32 s7  }
.LBB1_6:
0x68: {  	s9 =	sshra.s32 s8, $0x2;
	p0 =	sne.s32 s8, $0xF00;
	s8 =	sadd.s32 $0x100, s8  }
.Ltmp4:
0x69: {  	[tilespmem:s2+$0x10] =	vst v3;
	v3 =	vld.idx.msk [tilespmem:v0+s9+$0x10 ss:$0x1], $0xffff;
	(pc) =	sbr.rel @p0 .LBB1_6-.Ltmp4, $4  }
0x6a: {  	[tilespmem:s2+$0xFFFFFFE0] =	vst v4;
	v4 =	vld.idx.msk [tilespmem:v0+s9+$0xFFFFFFE0 ss:$0x1], $0xffff  }
0x6b: {  	[tilespmem:s2+$0xFFFFFFF0] =	vst v1;
	v1 =	vld.idx.msk [tilespmem:v0+s9+$0xFFFFFFF0 ss:$0x1], $0xffff  }
0x6c: {  	[tilespmem:s2+$0x0] =	vst v2;
	v2 =	vld.idx.msk [tilespmem:v0+s9+$0x0 ss:$0x1], $0xffff  }
0x6d: {  	s2 =	sadd.s32 $0x400, s2  }
0x6e: {  	s6 =	sadd.s32 $0x1, s6  }
0x6f: {  	p0 =	sne.s32 s6, $0x10  }
.Ltmp5:
0x70: {  	_ = 	snop;
	(pc) =	sbr.rel @p0 .LBB1_5-.Ltmp5, $4  }
0x71: {  	[tilespmem:s2+$0x10] =	vst v3  }
0x72: {  	[tilespmem:s2+$0xFFFFFFE0] =	vst v4  }
0x73: {  	[tilespmem:s2+$0xFFFFFFF0] =	vst v1  }
0x74: {  	s7 =	sadd.s32 $0x40, s7;
	s4 =	sadd.s32 $0x400, s4;
	[tilespmem:s2+$0x0] =	vst v2  }
0x75: {  	s2 =	smul.u32 $0x7000, s31  }
.Ltmp6:
0x76: {  	s0 =	sshll.u32 s0, $0x4;
	s4 =	rddreg [dreg:$0x3];
	(pc) =	sbr.rel .LBB1_9-.Ltmp6, $4  }
0x77: {  	s0 =	sand.u32 $0xF0, s0;
	s2 =	sadd.s32 s4, s2  }
0x78: {  	s31 =	sshll.u32 s30, $0x8;
	s0 =	sadd.s32 s0, s2  }
0x79: {  	s0 =	sadd.s32 s31, s0  }
0x7a: {  	[hbm4b:s0+s23] =	stream.strided.scatter [tilespmem:s1], [sflag:$0x2], $0x4000, s24, s23, $0x38;
	[tilespmem:$0x10000] =	vst v63  }
.LBB1_10:
0x7b: {  	_ =	sfence.sel $0x180000  }
0x7c: {  	s0 =	simm.s32 $0x1;
	[bflag:$0x0] =	sbarrier.arrive $0xFFFF  }
0x7d: {  	s30 =	simm.s32 $0x2;
	[sflag:s0] =	ssyncpa.u1 $0x1  }
0x7e: {  	[sflag:s30] =	ssyncpa.u1 $0x1  }
0x7f: {  	_ =	strace $0x90000047  }
0x80: {  	s31 =	stileid.u32;
	[bflag:$0x2] =	sbarrier.arrive $0xFFFF  }
0x81: {  	p0 =	sne.s32 s31, $0x0;
	s0 =	rddreg [dreg:$0x1]  }
0x82: {  	s0 =	sadd.s32 @!p0 $0x100000, s0  }
0x83: {  	[sflag:s0] =	ssyncadd.tile.s32 @!p0 $0x1;
	_ =	shalt  }
.Lfunc_end1:
_tile_overlayer_lowered:
.L_overlay_start_2:
0x84: {  	(tag) =	ssettag $0x2  }
0x85: {  	s0 =	rddreg [dreg:$0x0];
	s2 =	stileid.u32  }
0x86: {  	s1 =	rddreg [dreg:$0x1];
	p0 =	sne.s32 s2, $0x0  }
0x87: {  	s3 =	rddreg [dreg:$0x2];
	[bflag:$0x3] =	sbarrier.arrive $0xFFFF;
	s2 =	simm.s32 @!p0 $0x1C01  }
0x88: {  	[timem:s3], [sflag:s2] =	dma.local @!p0 [hbm:s0], s1  }
0x89: {  	s0 =	simm.s32 @!p0 $0x1  }
0x8a: {  	_ =	swait.ge @!p0 [sflag:s0], s1  }
0x8b: {  	s1 =	ssub.s32 @!p0 $0x0, s1;
	[sflag:s0] =	ssyncset.done @!p0 $0x0  }
0x8c: {  	[sflag:s0] =	ssyncadd.s32 @!p0 s1  }
0x8d: {  	[bflag:$0x3] =	sbarrier.arrive $0xFFFF  }
0x8e: {  	_ =	shalt  }

// kernel: sparse-core-data-format-call.cloned.1.call-start
scs
called_computation_lowered:
.L_overlay_start_0:
0x0: {  	s1 =	sld [smem:$0x3FD9]  }
0x1: {  	s2 =	sld [smem:$0x3FFE];
	_ =	sdelay $0x1  }
0x2: {  	s3 =	srdreg.scid  }
0x3: {  	s0 =	sand.u32 $0x1, s3  }
0x4: {  	s17 =	sshll.u32 s0, $0xA;
	s1 =	sadd.s32 s2, s1  }
0x5: {  	s1 =	sadd.s32 s1, s17  }
0x6: {  	[smem:$0x3FBE] =	sst s1  }
0x7: {  	_ = 	snop  }
0x8: {  	(tm) =	ssettm $0x1  }
0x9: {  	s18 =	sld [smem:$0x3FFB];
	_ =	sdelay $0x3  }
0xa: {  	_ =	strace s18  }
0xb: {  	s1 =	sld [smem:$0x3FFC];
	_ =	sdelay $0x3  }
0xc: {  	_ =	strace s1  }
0xd: {  	s1 =	sld [smem:$0x3FFD];
	_ =	sdelay $0x3  }
0xe: {  	_ =	strace s1  }
0xf: {  	_ =	strace $0x8FFFFFFF  }
0x10: {  	s19 =	sld [smem:$0x3FDB];
	_ =	sdelay $0x1  }
0x11: {  	s20 =	simm.s32 $_scs_section_size  }
0x12: {  	s4 =	simm.s32 $_size__tile_overlayer_lowered;
	s5 =	simm.s32 $_tile_overlayer_lowered  }
0x13: {  	s23 =	simm.s32 $0x1BFF;
	s22 =	sshll.u32 s5, $0x1;
	s1 =	sadd.s32 s20, s19  }
0x14: {  	s6 =	simm.s32 $0x0;
	s21 =	sshll.u32 s4, $0x1;
	s4 =	sadd.s32 s22, s1  }
0x15: {  	[timem:s6], [sflag:s23] =	dma.local [hbm:s4], s21  }
0x16: {  	_ =	swait.ge [sflag:s23], s21  }
0x17: {  	s2 =	ssub.s32 $0x0, s21;
	[sflag:s23] =	ssyncset.done $0x0  }
0x18: {  	[sflag:s23] =	ssyncadd.s32 s2;
	_ =	sdelay $0x1  }
0x19: {  	s24 =	simm.s32 $0x1B8B  }
0x1a: {  	_ =	swait.ge [sflag:s24], $0x1  }
0x1b: {  	[sflag:s24] =	ssyncset.done $0x0  }
0x1c: {  	s26 =	simm.s32 $0x1B8E;
	s25 =	sld [smem:$0x3FFE];
	[sflag:s24] =	ssyncadd.s32 $0xFFFFFFFF  }
0x1d: {  	s27 =	simm.s32 $execute0_lowered;
	[smem:$0x3FD2] =	sst s26  }
0x1e: {  	s4 =	sshll.u32 s27, $0x1;
	_ =	strace $0x8000004C;
	[dreg:$0x1] =	wrdreg $0xFFFFFFFF  }
0x1f: {  	s28 =	simm.s32 $_size_execute0_lowered;
	s1 =	sadd.s32 s1, s4;
	[dreg:$0x0] =	wrdreg $0x0  }
0x20: {  	s4 =	sshll.u32 s28, $0x1;
	[dreg:$0x2] =	wrdreg s1  }
0x21: {  	[dreg:$0x3] =	wrdreg s4  }
0x22: {  	[dreg:$0x4] =	wrdreg $0xC0  }
0x23: {  	_ =	task [dreg:s6], $0x5FFFF  }
0x24: {  	[dreg:$0x1] =	wrdreg $0xFFFFFFFF  }
0x25: {  	[dreg:$0x0] =	wrdreg $0x60  }
0x26: {  	[dreg:$0x2] =	wrdreg s25  }
0x27: {  	[dreg:$0x3] =	wrdreg $0x9  }
0x28: {  	_ =	task.clear_ibuf [dreg:s6], $0x4FFFF;
	_ =	strace $0x9000004C  }
0x29: {  	s29 =	simm.s32 $0x9;
	_ =	strace $0x8000004E  }
0x2a: {  	_ =	swait.ge [sflag:s29], $0x1  }
0x2b: {  	[sflag:s29] =	ssyncadd.s32 $0xFFFFFFFF  }
0x2c: {  	_ =	strace $0x9000004E  }
0x2d: {  	_ =	sfence  }
0x2e: {  	s30 =	sld [smem:$0x0];
	_ =	sdelay $0x2  }
0x2f: {  	s31 =	sshll.u32 s3, $0xD;
	s3 =	sshrl.u32 s3, $0x2  }
0x30: {  	s2 =	sand.u32 $0x4000, s31;
	s1 =	sadd.s32 s3, s30  }
0x31: {  	s0 =	sor.u32 s2, s0;
	s1 =	sshll.u32 s1, $0x11  }
0x32: {  	s0 =	sor.u32 s1, s0  }
0x33: {  	s0 =	sadd.s32 $0x8F2B, s0  }
0x34: {  	[sflag:s0] =	ssyncadd.remote.s32 $0x1  }
0x35: {  	_ =	sfence.sel $0xFFFF  }
0x36: {  	[dreg:$0x0] =	wrdreg $0xFFFFFFFF;
	(pc) =	sbr.abs _section_cstart, $3  }
0x37: {  	[dreg:$0x1] =	wrdreg $0xFFFFFFFF  }
0x38: {  	_ =	task.clear_ibuf [dreg:s6], $0x2FFFF;
	_ =	strace $0x9FFFFFFF  }
0x39: {  	(tm) =	ssettm $0x7FFFFFFF  }
tec
execute0_lowered:
.L_overlay_start_1:
0x0: {  	(tag) =	ssettag $0x1  }
0x1: {  	s0 =	srdreg.scid  }
0x2: {  	s1 =	stileid.u32;
	s12 =	rddreg [dreg:$0x0];
	_ =	strace $0x8000004D  }
0x3: {  	s26 =	simm.s32 $0x2;
	s8 =	simm.s32 $0x0;
	s15 =	sadd.s32 $0x4C4C00, s12  }
0x4: {  	s9 =	simm.s32 $0x0;
	s16 =	sadd.s32 $0x4F5C00, s12;
	[dreg:$0x2] =	wrdreg s15  }
0x5: {  	s7 =	simm.s32 $0x0;
	s17 =	sadd.s32 $0x526C00, s12;
	[dreg:$0x3] =	wrdreg s16  }
0x6: {  	s29 =	simm.s32 $0x0;
	s18 =	sadd.s32 $0x557C00, s12;
	[dreg:$0x4] =	wrdreg s17  }
0x7: {  	s30 =	simm.s32 $0x0;
	s19 =	sadd.s32 $0x588C00, s12;
	[dreg:$0x5] =	wrdreg s18  }
0x8: {  	s31 =	simm.s32 $0x0;
	s20 =	sadd.s32 $0x5B9C00, s12;
	[dreg:$0x6] =	wrdreg s19  }
0x9: {  	s0 =	sshll.u32 s0, $0x4;
	s21 =	sadd.s32 $0x5EAC00, s12;
	[dreg:$0x7] =	wrdreg s20  }
0xa: {  	s2 =	sand.u32 $0x1, s1;
	s22 =	sadd.s32 $0x61BC00, s12;
	[dreg:$0x8] =	wrdreg s21  }
0xb: {  	s23 =	sadd.s32 $0x64CC00, s12;
	s24 =	sadd.s32 $0x67DC00, s12;
	[dreg:$0x9] =	wrdreg s22  }
0xc: {  	s25 =	sadd.s32 $0x6AEC00, s12;
	s0 =	sand.u32 $0x10, s0;
	[dreg:$0xa] =	wrdreg s23  }
0xd: {  	s13 =	ssub.s32 $0x2, s2;
	[dreg:$0xb] =	wrdreg s24;
	s0 =	sor.u32 s1, s0  }
0xe: {  	[dreg:$0xc] =	wrdreg s25;
	s18 =	sadd.s32 $0x6DFC00, s12;
	s3 =	sshrl.u32 s0, $0x1  }
0xf: {  	s4 =	sshrl.u32 s13, $0x1;
	s0 =	sand.u32 $0x1, s13;
	s5 =	ssub.s32 $0x47, s3  }
0x10: {  	s19 =	sadd.s32 $0x710C00, s12;
	s0 =	sadd.s32 s0, s4;
	s14 =	sshrl.u32 s5, $0x4  }
0x11: {  	s20 =	sadd.s32 $0x741C00, s12;
	s21 =	sadd.s32 $0x772C00, s12;
	s0 =	smul.u32 s14, s0  }
.Ltmp0:
0x12: {  	s22 =	sadd.s32 $0x7A3C00, s12;
	s24 =	simm.s32 $0x40;
	(pc) =	sbr.rel .LBB1_1-.Ltmp0, $4  }
0x13: {  	s25 =	simm.s32 $0x3800;
	s28 =	smov.u32 s2;
	s14 =	simm.s32 $0x1  }
0x14: {  	s4 =	sadd.s32 $0x1B4C00, s12;
	[sflag:s14] =	ssyncpa.u1 $0x0;
	s6 =	smul.u32 $0x38, s0  }
0x15: {  	s27 =	smov.u32 s3;
	s5 =	simm.s32 $0x0;
	[sflag:s26] =	ssyncpa.u1 $0x0  }
0x16: {  	s0 =	simm.s32 $0x0;
	s26 =	simm.s32 $0x0;
	s23 =	sor.u32 $0x1, s6  }
.LBB1_7:
0x17: {  	s1 =	sadd.s32 $0x1, s26  }
0x18: {  	s0 =	sadd.s32 $0x10, s27;
	s10 =	smov.u32 s27;
	p1 =	sgt.s32 s1, $0x37  }
0x19: {  	s10 =	smov.u32 @p1 s0  }
0x1a: {  	s11 =	smov.u32 s28;
	s0 =	sadd.s32 $0x2, s28;
	p2 =	sgt.s32 s10, $0x37  }
0x1b: {  	s11 =	smov.u32 @p2 s0  }
0x1c: {  	s12 =	smov.u32 s29;
	s0 =	sadd.s32 $0x2, s29;
	p3 =	sgt.s32 s11, $0x1  }
0x1d: {  	p0 =	slt.u32 s31, $0x2;
	s12 =	smov.u32 @p3 s0  }
0x1e: {  	s13 =	smov.u32 s30;
	s0 =	sadd.s32 $0x10, s30;
	p4 =	sgt.s32 s12, $0x1  }
0x1f: {  	s8 =	smov.u32 s26;
	s5 =	smov.u32 s27;
	s13 =	smov.u32 @p4 s0  }
0x20: {  	s9 =	smov.u32 s28;
	s1 =	simm.s32 @p1 $0x0;
	p1 =	sgt.s32 s13, $0xF  }
0x21: {  	s15 =	simm.s32 @!p0 $0x2;
	s13 =	simm.s32 @p1 $0x0;
	p1 =	sne.s32 s31, s23  }
.Ltmp1:
0x22: {  	s7 =	smov.u32 s29;
	_ =	swait.ge @!p0 [sflag:s15], $0x800;
	(pc) =	sbr.rel @!p1 .LBB1_8-.Ltmp1, $4  }
0x23: {  	[sflag:s15] =	ssyncset.done @!p0 $0x0;
	s26 =	smov.u32 s1;
	s10 =	smov.u32 @p2 s3  }
0x24: {  	[sflag:s15] =	ssyncadd.s32 @!p0 $0xFFFFF800;
	s27 =	smov.u32 s10;
	s11 =	smov.u32 @p3 s2  }
0x25: {  	s28 =	smov.u32 s11;
	s12 =	simm.s32 @p4 $0x0;
	s0 =	smov.u32 s30  }
0x26: {  	s29 =	smov.u32 s12;
	s31 =	sadd.s32 $0x1, s31;
	s30 =	smov.u32 s13  }
.LBB1_1:
0x27: {  	p0 =	sge.u32 s31, s6  }
0x28: {  	s11 =	smul.u32 @!p0 $0x31000, s30  }
0x29: {  	s1 =	sand.u32 @!p0 $0x1FFFFFF, s26;
	s12 =	smul.u32 @!p0 $0x18800, s29  }
0x2a: {  	s10 =	smulhi.u32 @!p0 $0x4924925, s1  }
0x2b: {  	s13 =	smul.u32 @!p0 $0xC400, s28  }
0x2c: {  	s17 =	sadd.s32 $0xFFFFFFFF, s31;
	s11 =	sadd.s32 @!p0 s4, s11;
	s10 =	smul.u32 @!p0 $0x38, s10  }
0x2d: {  	s15 =	sxor.u32 @!p0 $0xFFFFFFFF, s31;
	s11 =	sadd.s32 @!p0 s12, s11;
	s12 =	smul.u32 @!p0 $0x380, s27  }
0x2e: {  	s15 =	sshll.u32 @!p0 s15, $0xB;
	s1 =	ssub.s32 @!p0 s1, s10;
	s10 =	sadd.s32 @!p0 s13, s11  }
0x2f: {  	s11 =	sand.u32 @!p0 $0x800, s15;
	s1 =	sshll.u32 @!p0 s1, $0x4;
	s10 =	sadd.s32 @!p0 s12, s10  }
0x30: {  	s12 =	simm.s32 @!p0 $0xC4000;
	s1 =	sadd.s32 @!p0 s1, s10;
	s10 =	simm.s32 @!p0 $0x40  }
0x31: {  	[tilespmem:s11], [sflag:$0x1] =	stream.strided.gather @!p0 [hbm4b:s1+s10], $0x800, s12, s10, $0x38;
	[tilespmem:$0x2000] =	vst v63  }
0x32: {  	p0 =	sge.u32 s17, s6  }
.Ltmp2:
0x33: {  	_ = 	snop;
	(pc) =	sbr.rel @p0 .LBB1_7-.Ltmp2, $1  }
0x34: {  	_ =	sdelay $0x3  }
0x35: {  	s1 =	sshll.u32 s31, $0xB  }
0x36: {  	s1 =	sand.u32 $0x800, s1  }
0x37: {  	v0 =	vmov s1  }
0x38: {  	_ =	swait.ge [sflag:s14], $0x800  }
0x39: {  	[sflag:s14] =	ssyncset.done $0x0;
	s10 =	sor.u32 $0x1000, s1  }
0x3a: {  	s11 =	simm.s32 $0x0;
	[sflag:s14] =	ssyncadd.s32 $0xFFFFF800;
	v1 =	vmov s10  }
.LBB1_3:
0x3b: {  	s12 =	sshll.u32 s11, $0x7;
	p0 =	por $0x1, $0x1;
	s13 =	simm.s32 $0x0  }
.LBB1_4:
0x3c: {  	s13 =	sor.u32 s12, s13  }
0x3d: {  	v2 =	vld.idx.msk [tilespmem:v0+s13+$0x0 ss:$0x1], $0xffff;
	s15 =	sor.u32 $0x10, s13  }
0x3e: {  	s16 =	sor.u32 $0x20, s13;
	v3 =	vld.idx.msk [tilespmem:v0+s15+$0x0 ss:$0x1], $0xffff  }
0x3f: {  	s17 =	sor.u32 $0x30, s13;
	v4 =	vld.idx.msk [tilespmem:v0+s16+$0x0 ss:$0x1], $0xffff  }
0x40: {  	p1 =	por p0, p0;
	v5 =	vld.idx.msk [tilespmem:v0+s17+$0x0 ss:$0x1], $0xffff  }
.Ltmp3:
0x41: {  	_ = 	snop;
	(pc) =	sbr.rel @p1 .LBB1_4-.Ltmp3, $4  }
0x42: {  	[tilespmem:v1+s13+$0x0 ss:$0x1] =	vst.idx.msk $0xffff, v2  }
0x43: {  	[tilespmem:v1+s15+$0x0 ss:$0x1] =	vst.idx.msk $0xffff, v3  }
0x44: {  	[tilespmem:v1+s16+$0x0 ss:$0x1] =	vst.idx.msk $0xffff, v4  }
0x45: {  	p0 =	por $0x0, $0x0;
	s13 =	simm.s32 $0x40;
	[tilespmem:v1+s17+$0x0 ss:$0x1] =	vst.idx.msk $0xffff, v5  }
0x46: {  	s11 =	sadd.s32 $0x1, s11  }
0x47: {  	p0 =	sne.s32 s11, $0x10  }
.Ltmp4:
0x48: {  	_ = 	snop;
	(pc) =	sbr.rel @p0 .LBB1_3-.Ltmp4, $1  }
0x49: {  	_ =	sdelay $0x3  }
0x4a: {  	s0 =	smul.u32 $0x31000, s0  }
0x4b: {  	s7 =	smul.u32 $0x700, s7;
	_ =	sdelay $0x1  }
0x4c: {  	s5 =	smul.u32 $0xE00, s5;
	s12 =	rddreg [dreg:$0x2];
	s11 =	sadd.s32 s0, s7  }
0x4d: {  	s9 =	sshll.u32 s9, $0x4;
	s11 =	sadd.s32 s12, s11  }
0x4e: {  	s9 =	sand.u32 $0x10, s9;
	s11 =	sadd.s32 s5, s11  }
0x4f: {  	s8 =	sshll.u32 s8, $0x5;
	s11 =	sadd.s32 s9, s11  }
0x50: {  	s11 =	sadd.s32 s8, s11  }
0x51: {  	[hbm4b:s11+s24] =	stream.strided.scatter [tilespmem:s10], [sflag:$0x2], $0x80, s25, s24, $0x38;
	[tilespmem:$0x2000] =	vst v63  }
0x52: {  	s11 =	rddreg [dreg:$0x3]  }
0x53: {  	s10 =	sadd.s32 s0, s11  }
0x54: {  	s10 =	sadd.s32 s7, s10  }
0x55: {  	s10 =	sadd.s32 s5, s10  }
0x56: {  	s10 =	sadd.s32 s9, s10  }
0x57: {  	s13 =	rddreg [dreg:$0x4];
	s12 =	sadd.s32 $0x1080, s1;
	s10 =	sadd.s32 s8, s10  }
0x58: {  	[hbm4b:s10+s24] =	stream.strided.scatter [tilespmem:s12], [sflag:$0x2], $0x80, s25, s24, $0x38;
	[tilespmem:$0x2000] =	vst v63  }
0x59: {  	s10 =	sadd.s32 s0, s13  }
0x5a: {  	s10 =	sadd.s32 s7, s10  }
0x5b: {  	s10 =	sadd.s32 s5, s10  }
0x5c: {  	s10 =	sadd.s32 s9, s10  }
0x5d: {  	s15 =	sadd.s32 $0x1100, s1;
	s16 =	rddreg [dreg:$0x5];
	s10 =	sadd.s32 s8, s10  }
0x5e: {  	[hbm4b:s10+s24] =	stream.strided.scatter [tilespmem:s15], [sflag:$0x2], $0x80, s25, s24, $0x38;
	[tilespmem:$0x2000] =	vst v63  }
0x5f: {  	s10 =	sadd.s32 s0, s16  }
0x60: {  	s10 =	sadd.s32 s7, s10  }
0x61: {  	s10 =	sadd.s32 s5, s10  }
0x62: {  	s10 =	sadd.s32 s9, s10  }
0x63: {  	s17 =	sadd.s32 $0x1180, s1;
	s11 =	rddreg [dreg:$0x6];
	s10 =	sadd.s32 s8, s10  }
0x64: {  	[hbm4b:s10+s24] =	stream.strided.scatter [tilespmem:s17], [sflag:$0x2], $0x80, s25, s24, $0x38;
	[tilespmem:$0x2000] =	vst v63  }
0x65: {  	s10 =	sadd.s32 s0, s11  }
0x66: {  	s10 =	sadd.s32 s7, s10  }
0x67: {  	s10 =	sadd.s32 s5, s10  }
0x68: {  	s10 =	sadd.s32 s9, s10  }
0x69: {  	s12 =	sadd.s32 $0x1200, s1;
	s13 =	rddreg [dreg:$0x7];
	s10 =	sadd.s32 s8, s10  }
0x6a: {  	[hbm4b:s10+s24] =	stream.strided.scatter [tilespmem:s12], [sflag:$0x2], $0x80, s25, s24, $0x38;
	[tilespmem:$0x2000] =	vst v63  }
0x6b: {  	s10 =	sadd.s32 s0, s13  }
0x6c: {  	s10 =	sadd.s32 s7, s10  }
0x6d: {  	s10 =	sadd.s32 s5, s10  }
0x6e: {  	s10 =	sadd.s32 s9, s10  }
0x6f: {  	s15 =	sadd.s32 $0x1280, s1;
	s16 =	rddreg [dreg:$0x8];
	s10 =	sadd.s32 s8, s10  }
0x70: {  	[hbm4b:s10+s24] =	stream.strided.scatter [tilespmem:s15], [sflag:$0x2], $0x80, s25, s24, $0x38;
	[tilespmem:$0x2000] =	vst v63  }
0x71: {  	s10 =	sadd.s32 s0, s16  }
0x72: {  	s10 =	sadd.s32 s7, s10  }
0x73: {  	s10 =	sadd.s32 s5, s10  }
0x74: {  	s10 =	sadd.s32 s9, s10  }
0x75: {  	s17 =	sadd.s32 $0x1300, s1;
	s11 =	rddreg [dreg:$0x9];
	s10 =	sadd.s32 s8, s10  }
0x76: {  	[hbm4b:s10+s24] =	stream.strided.scatter [tilespmem:s17], [sflag:$0x2], $0x80, s25, s24, $0x38;
	[tilespmem:$0x2000] =	vst v63  }
0x77: {  	s10 =	sadd.s32 s0, s11  }
0x78: {  	s10 =	sadd.s32 s7, s10  }
0x79: {  	s10 =	sadd.s32 s5, s10  }
0x7a: {  	s10 =	sadd.s32 s9, s10  }
0x7b: {  	s12 =	sadd.s32 $0x1380, s1;
	s13 =	rddreg [dreg:$0xa];
	s10 =	sadd.s32 s8, s10  }
0x7c: {  	[hbm4b:s10+s24] =	stream.strided.scatter [tilespmem:s12], [sflag:$0x2], $0x80, s25, s24, $0x38;
	[tilespmem:$0x2000] =	vst v63  }
0x7d: {  	s10 =	sadd.s32 s0, s13  }
0x7e: {  	s10 =	sadd.s32 s7, s10  }
0x7f: {  	s10 =	sadd.s32 s5, s10  }
0x80: {  	s10 =	sadd.s32 s9, s10  }
0x81: {  	s15 =	sadd.s32 $0x1400, s1;
	s16 =	rddreg [dreg:$0xb];
	s10 =	sadd.s32 s8, s10  }
0x82: {  	[hbm4b:s10+s24] =	stream.strided.scatter [tilespmem:s15], [sflag:$0x2], $0x80, s25, s24, $0x38;
	[tilespmem:$0x2000] =	vst v63  }
0x83: {  	s10 =	sadd.s32 s0, s16  }
0x84: {  	s10 =	sadd.s32 s7, s10  }
0x85: {  	s10 =	sadd.s32 s5, s10  }
0x86: {  	s10 =	sadd.s32 s9, s10  }
0x87: {  	s17 =	sadd.s32 $0x1480, s1;
	s11 =	rddreg [dreg:$0xc];
	s10 =	sadd.s32 s8, s10  }
0x88: {  	[hbm4b:s10+s24] =	stream.strided.scatter [tilespmem:s17], [sflag:$0x2], $0x80, s25, s24, $0x38;
	[tilespmem:$0x2000] =	vst v63  }
0x89: {  	s10 =	sadd.s32 s0, s11  }
0x8a: {  	s10 =	sadd.s32 s7, s10  }
0x8b: {  	s10 =	sadd.s32 s5, s10  }
0x8c: {  	s10 =	sadd.s32 s9, s10  }
0x8d: {  	s12 =	sadd.s32 $0x1500, s1;
	s13 =	sadd.s32 s0, s18;
	s10 =	sadd.s32 s8, s10  }
0x8e: {  	[hbm4b:s10+s24] =	stream.strided.scatter [tilespmem:s12], [sflag:$0x2], $0x80, s25, s24, $0x38;
	[tilespmem:$0x2000] =	vst v63  }
0x8f: {  	s10 =	sadd.s32 s7, s13  }
0x90: {  	s10 =	sadd.s32 s5, s10  }
0x91: {  	s10 =	sadd.s32 s9, s10  }
0x92: {  	s15 =	sadd.s32 $0x1580, s1;
	s16 =	sadd.s32 s0, s19;
	s10 =	sadd.s32 s8, s10  }
0x93: {  	[hbm4b:s10+s24] =	stream.strided.scatter [tilespmem:s15], [sflag:$0x2], $0x80, s25, s24, $0x38;
	[tilespmem:$0x2000] =	vst v63  }
0x94: {  	s10 =	sadd.s32 s7, s16  }
0x95: {  	s10 =	sadd.s32 s5, s10  }
0x96: {  	s10 =	sadd.s32 s9, s10  }
0x97: {  	s17 =	sadd.s32 $0x1600, s1;
	s12 =	sadd.s32 s0, s20;
	s10 =	sadd.s32 s8, s10  }
0x98: {  	[hbm4b:s10+s24] =	stream.strided.scatter [tilespmem:s17], [sflag:$0x2], $0x80, s25, s24, $0x38;
	[tilespmem:$0x2000] =	vst v63  }
0x99: {  	s10 =	sadd.s32 s7, s12  }
0x9a: {  	s10 =	sadd.s32 s5, s10  }
0x9b: {  	s10 =	sadd.s32 s9, s10  }
0x9c: {  	s13 =	sadd.s32 $0x1680, s1;
	s15 =	sadd.s32 s0, s21;
	s10 =	sadd.s32 s8, s10  }
0x9d: {  	[hbm4b:s10+s24] =	stream.strided.scatter [tilespmem:s13], [sflag:$0x2], $0x80, s25, s24, $0x38;
	[tilespmem:$0x2000] =	vst v63  }
0x9e: {  	s0 =	sadd.s32 s0, s22;
	s10 =	sadd.s32 s7, s15  }
0x9f: {  	s0 =	sadd.s32 s7, s0;
	s10 =	sadd.s32 s5, s10  }
.Ltmp5:
0xa0: {  	s0 =	sadd.s32 s5, s0;
	s10 =	sadd.s32 s9, s10;
	(pc) =	sbr.rel .LBB1_7-.Ltmp5, $4  }
0xa1: {  	s16 =	sadd.s32 $0x1700, s1;
	s0 =	sadd.s32 s9, s0;
	s10 =	sadd.s32 s8, s10  }
0xa2: {  	[hbm4b:s10+s24] =	stream.strided.scatter [tilespmem:s16], [sflag:$0x2], $0x80, s25, s24, $0x38;
	[tilespmem:$0x2000] =	vst v63  }
0xa3: {  	s17 =	sadd.s32 $0x1780, s1;
	s0 =	sadd.s32 s8, s0  }
0xa4: {  	[hbm4b:s0+s24] =	stream.strided.scatter [tilespmem:s17], [sflag:$0x2], $0x80, s25, s24, $0x38;
	[tilespmem:$0x2000] =	vst v63  }
.LBB1_8:
0xa5: {  	_ =	sfence.sel $0x180000  }
0xa6: {  	s0 =	simm.s32 $0x1;
	[bflag:$0x0] =	sbarrier.arrive $0xFFFF  }
0xa7: {  	s30 =	simm.s32 $0x2;
	[sflag:s0] =	ssyncpa.u1 $0x1  }
0xa8: {  	[sflag:s30] =	ssyncpa.u1 $0x1  }
0xa9: {  	_ =	strace $0x9000004D  }
0xaa: {  	s31 =	stileid.u32;
	[bflag:$0x2] =	sbarrier.arrive $0xFFFF  }
0xab: {  	p0 =	sne.s32 s31, $0x0;
	s0 =	rddreg [dreg:$0x1]  }
0xac: {  	s0 =	sadd.s32 @!p0 $0x100000, s0  }
0xad: {  	[sflag:s0] =	ssyncadd.tile.s32 @!p0 $0x1;
	_ =	shalt  }
.Lfunc_end1:
_tile_overlayer_lowered:
.L_overlay_start_2:
0xae: {  	(tag) =	ssettag $0x2  }
0xaf: {  	s0 =	rddreg [dreg:$0x0];
	s2 =	stileid.u32  }
0xb0: {  	s1 =	rddreg [dreg:$0x1];
	p0 =	sne.s32 s2, $0x0  }
0xb1: {  	s3 =	rddreg [dreg:$0x2];
	[bflag:$0x3] =	sbarrier.arrive $0xFFFF;
	s2 =	simm.s32 @!p0 $0x1C01  }
0xb2: {  	[timem:s3], [sflag:s2] =	dma.local @!p0 [hbm:s0], s1  }
0xb3: {  	s0 =	simm.s32 @!p0 $0x1  }
0xb4: {  	_ =	swait.ge @!p0 [sflag:s0], s1  }
0xb5: {  	s1 =	ssub.s32 @!p0 $0x0, s1;
	[sflag:s0] =	ssyncset.done @!p0 $0x0  }
0xb6: {  	[sflag:s0] =	ssyncadd.s32 @!p0 s1  }
0xb7: {  	[bflag:$0x3] =	sbarrier.arrive $0xFFFF  }
0xb8: {  	_ =	shalt  }

</sc_bundles>
